<compile_context>
chip_gen: v7x
topology: tpu7x:2x2x1
jax: 0.10.2.dev20260603
libtpu: 0.0.44.dev20260713+nightly
codegen_flags: <defaults>
</compile_context>

<pallas_src>
import functools
import math

import jax
import jax.numpy as jnp
from jax import lax
from jax.experimental import pallas as pl
from jax.experimental.pallas import tpu as pltpu
from jax.experimental.pallas import tpu_sc as plsc

N = 1_000_000
NIMG = 10_000
DM = 10
MC = 4
HMAX = 32
NU = HMAX ** 3
LOG2PI = float(math.log(2.0 * math.pi))

BN = 8000
GRID = N // BN
CH = 1600
NCHUNK = N // CH
NW = 32
KMAX = -(-NCHUNK // NW)


def _stats(md_ref, io_ref, msum_ref, msq_ref, isq_ref):
    @pl.when(pl.program_id(0) == 0)
    def _():
        msum_ref[...] = jnp.zeros_like(msum_ref)
        msq_ref[...] = jnp.zeros_like(msq_ref)
        isq_ref[...] = jnp.zeros_like(isq_ref)

    m = md_ref[...]
    msum_ref[...] += m.sum(axis=0, keepdims=True)
    msq_ref[...] += (m * m).sum(axis=0, keepdims=True)
    io = io_ref[...]
    isq_ref[...] += jnp.sum(io * io).reshape(1, 1)


def _post(ql_ref, qsr_ref, ep_ref, zt_ref, kl_ref):
    @pl.when(pl.program_id(0) == 0)
    def _():
        kl_ref[...] = jnp.zeros_like(kl_ref)

    ql = ql_ref[...]
    qs = jax.nn.softplus(qsr_ref[...]) + 1e-6
    ep = ep_ref[...]
    z = ql + qs * ep
    zt_ref[...] = jnp.concatenate([z, jnp.zeros((z.shape[0], 12), jnp.float32)], axis=1)
    kl_ref[...] += jnp.sum(0.5 * z * z - 0.5 * ep * ep - jnp.log(qs)).reshape(1, 1)


def _lin(md_ref, sio_ref, wl_ref, ws_ref, cst_ref,
         loc_ref, sig_ref, c4_ref, skl_ref):
    @pl.when(pl.program_id(0) == 0)
    def _():
        skl_ref[...] = jnp.zeros_like(skl_ref)

    m = md_ref[...]
    wl = wl_ref[...]
    ws = ws_ref[...]
    cst = cst_ref[...]
    loc = (m * wl).sum(axis=1) + cst[0, 0]
    sig = jax.nn.softplus((m * ws).sum(axis=1) + cst[0, 1]) + 1e-6
    loc_ref[...] = loc.reshape(1, 1, BN)
    sig_ref[...] = sig.reshape(1, 1, BN)
    sio = sio_ref[...]
    c4_ref[...] = 4.0 * (cst[0, 2] - jnp.log(sio))
    skl_ref[...] += jnp.sum(0.5 * (loc * loc + sig * sig - 2.0 * jnp.log(sig) - 1.0)).reshape(1, 1)


def _comb(llp_ref, cnp_ref, out_ref):
    s = llp_ref[...].sum(axis=0)
    c = jnp.maximum(cnp_ref[...].sum(axis=0), 1.0)
    out_ref[...] = (-(s / c) * (1.0 / MC)).reshape(1, NIMG)


def _take16(x, idx):
    dnums = lax.GatherDimensionNumbers(
        offset_dims=(), collapsed_slice_dims=(0,), start_index_map=(0,))
    return lax.gather(x, idx[:, None], dnums, (1,),
                      mode=lax.GatherScatterMode.PROMISE_IN_BOUNDS)


def _sc_body(loc_h, sig_h, io_h, sg_h, c4_h, img_h, hkl_h, eps_h, zt_h, scal_h,
             ipred_h, llp_h, cnp_h,
             vloc, vsig, vio, vsg, vc4, vimg, vhkl, veps, vidx, fbuf, vipred,
             acc_ll, acc_cn, scalv, sem):
    wid = lax.axis_index("s") * 2 + lax.axis_index("c")
    iota = lax.iota(jnp.int32, 16)
    zeros16 = jnp.zeros((16,), jnp.float32)

    def _zinit(i, carry):
        acc_ll[pl.ds(i * 16, 16)] = zeros16
        acc_cn[pl.ds(i * 16, 16)] = zeros16
        return carry
    lax.fori_loop(0, NIMG // 16, _zinit, None)

    pltpu.sync_copy(scal_h, scalv)
    iv = scalv[...]

    def _chunk(k, carry):
        c = wid + NW * k

        @pl.when(c < NCHUNK)
        def _():
            base = c * CH
            pltpu.sync_copy(loc_h.at[pl.ds(base, CH)], vloc)
            pltpu.sync_copy(sig_h.at[pl.ds(base, CH)], vsig)
            pltpu.sync_copy(io_h.at[pl.ds(base, CH)], vio)
            pltpu.sync_copy(sg_h.at[pl.ds(base, CH)], vsg)
            pltpu.sync_copy(c4_h.at[pl.ds(base, CH)], vc4)
            pltpu.sync_copy(img_h.at[pl.ds(base, CH)], vimg)
            pltpu.sync_copy(hkl_h.at[pl.ds(base * 3, CH * 3)], vhkl)
            pltpu.sync_copy(eps_h.at[pl.ds(base * 4, CH * 4)], veps)

            def _mkidx(j, carry2):
                b3 = j * 48
                h0 = plsc.load_gather(vhkl, [b3 + iota * 3])
                h1 = plsc.load_gather(vhkl, [b3 + iota * 3 + 1])
                h2 = plsc.load_gather(vhkl, [b3 + iota * 3 + 2])
                vidx[pl.ds(j * 16, 16)] = (h0 * HMAX + h1) * HMAX + h2
                return carry2
            lax.fori_loop(0, CH // 16, _mkidx, None)

            cps = []
            for b in range(12):
                cps.append(pltpu.async_copy(
                    zt_h.at[vidx.at[pl.ds(b * 128, 128)]],
                    fbuf.at[pl.ds(b * 128, 128)], sem))
            cps.append(pltpu.async_copy(
                zt_h.at[vidx.at[pl.ds(1536, 64)]],
                fbuf.at[pl.ds(1536, 64)], sem))
            for cp in cps:
                cp.wait()

            def _comp(j, carry2):
                s16 = pl.ds(j * 16, 16)
                lo = vloc[s16]
                si = vsig[s16]
                io = vio[s16]
                sg = vsg[s16]
                c4 = vc4[s16]
                idv = vimg[s16]
                t = io * iv
                den = sg * iv
                accip = zeros16
                accd2 = zeros16
                for mc in range(MC):
                    ep = plsc.load_gather(veps, [j * 64 + iota * 4 + mc])
                    fv = plsc.load_gather(
                        fbuf, [j * 16 + iota, jnp.full((16,), mc, jnp.int32)])
                    sc = jnp.exp(lo + si * ep)
                    ip = fv * fv * sc
                    accip = accip + ip
                    dd = ip - t
                    accd2 = accd2 + dd * dd
                vipred[s16] = accip * 0.25
                llv = -0.5 * accd2 / (den * den) + c4
                s = plsc.cumsum(llv)
                id_nx = _take16(idv, jnp.minimum(iota + 1, 15))
                id_pv = _take16(idv, jnp.maximum(iota - 1, 0))
                s_pv = _take16(s, jnp.maximum(iota - 1, 0))
                endm = (idv != id_nx) | (iota == 15)
                stm = (idv != id_pv) & (iota > 0)
                fio = (iota + 1).astype(jnp.float32)
                plsc.addupdate_scatter(acc_ll, [idv], s, mask=endm)
                plsc.addupdate_scatter(acc_ll, [idv], -s_pv, mask=stm)
                plsc.addupdate_scatter(acc_cn, [idv], fio, mask=endm)
                plsc.addupdate_scatter(acc_cn, [idv], -(fio - 1.0), mask=stm)
                return carry2
            lax.fori_loop(0, CH // 16, _comp, None)

            pltpu.sync_copy(vipred, ipred_h.at[pl.ds(base, CH)])
        return carry
    lax.fori_loop(0, KMAX, _chunk, None)

    pltpu.sync_copy(acc_ll, llp_h.at[wid])
    pltpu.sync_copy(acc_cn, cnp_h.at[wid])


def kernel(metadata, iobs, sigiobs, w_loc, b_loc, w_sig, b_sig,
           q_loc, q_scale_raw, eps_scale, eps_z, image_id, rasu_id, hkl_in):
    f32 = jnp.float32

    msum, msq, isq = pl.pallas_call(
        _stats,
        grid=(GRID,),
        in_specs=[pl.BlockSpec((BN, DM), lambda i: (i, 0)),
                  pl.BlockSpec((1, 1, BN), lambda i: (i, 0, 0))],
        out_specs=[pl.BlockSpec((1, DM), lambda i: (0, 0)),
                   pl.BlockSpec((1, DM), lambda i: (0, 0)),
                   pl.BlockSpec((1, 1), lambda i: (0, 0))],
        out_shape=[jax.ShapeDtypeStruct((1, DM), f32),
                   jax.ShapeDtypeStruct((1, DM), f32),
                   jax.ShapeDtypeStruct((1, 1), f32)],
    )(metadata, iobs.reshape(GRID, 1, BN))

    mu = msum[0] / N
    var = msq[0] / N - mu * mu
    std = jnp.sqrt(var) + 1e-6
    i_std = jnp.sqrt(isq[0, 0] / N) + 1e-6
    inv_istd = 1.0 / i_std

    wl_adj = (w_loc / std).reshape(1, DM)
    ws_adj = (w_sig / std).reshape(1, DM)
    b_loc_adj = b_loc - jnp.sum(mu * w_loc / std)
    b_sig_adj = b_sig - jnp.sum(mu * w_sig / std)
    la = jnp.log(i_std) - 0.5 * LOG2PI
    cst = jnp.stack([b_loc_adj, b_sig_adj, la, jnp.zeros((), f32)]).reshape(1, 4)

    zt, klacc = pl.pallas_call(
        _post,
        grid=(NU // 256,),
        in_specs=[pl.BlockSpec((256, 1), lambda i: (i, 0)),
                  pl.BlockSpec((256, 1), lambda i: (i, 0)),
                  pl.BlockSpec((256, MC), lambda i: (i, 0))],
        out_specs=[pl.BlockSpec((256, 16), lambda i: (i, 0)),
                   pl.BlockSpec((1, 1), lambda i: (0, 0))],
        out_shape=[jax.ShapeDtypeStruct((NU, 16), f32),
                   jax.ShapeDtypeStruct((1, 1), f32)],
    )(q_loc.reshape(NU, 1), q_scale_raw.reshape(NU, 1), eps_z.T.reshape(NU, MC))

    loc2, sig2, c42, sklacc = pl.pallas_call(
        _lin,
        grid=(GRID,),
        in_specs=[pl.BlockSpec((BN, DM), lambda i: (i, 0)),
                  pl.BlockSpec((1, 1, BN), lambda i: (i, 0, 0)),
                  pl.BlockSpec((1, DM), lambda i: (0, 0)),
                  pl.BlockSpec((1, DM), lambda i: (0, 0)),
                  pl.BlockSpec((1, 4), lambda i: (0, 0))],
        out_specs=[pl.BlockSpec((1, 1, BN), lambda i: (i, 0, 0)),
                   pl.BlockSpec((1, 1, BN), lambda i: (i, 0, 0)),
                   pl.BlockSpec((1, 1, BN), lambda i: (i, 0, 0)),
                   pl.BlockSpec((1, 1), lambda i: (0, 0))],
        out_shape=[jax.ShapeDtypeStruct((GRID, 1, BN), f32),
                   jax.ShapeDtypeStruct((GRID, 1, BN), f32),
                   jax.ShapeDtypeStruct((GRID, 1, BN), f32),
                   jax.ShapeDtypeStruct((1, 1), f32)],
    )(metadata, sigiobs.reshape(GRID, 1, BN), wl_adj, ws_adj, cst)

    scal16 = jnp.full((16,), inv_istd, f32)

    mesh = plsc.VectorSubcoreMesh(core_axis_name="c", subcore_axis_name="s")
    sc = functools.partial(
        pl.kernel,
        mesh=mesh,
        compiler_params=pltpu.CompilerParams(
            needs_layout_passes=False, use_tc_tiling_on_sc=False),
        out_type=[jax.ShapeDtypeStruct((N,), f32),
                  jax.ShapeDtypeStruct((NW, NIMG), f32),
                  jax.ShapeDtypeStruct((NW, NIMG), f32)],
        scratch_types=[
            pltpu.VMEM((CH,), f32),
            pltpu.VMEM((CH,), f32),
            pltpu.VMEM((CH,), f32),
            pltpu.VMEM((CH,), f32),
            pltpu.VMEM((CH,), f32),
            pltpu.VMEM((CH,), jnp.int32),
            pltpu.VMEM((CH * 3,), jnp.int32),
            pltpu.VMEM((CH * MC,), f32),
            pltpu.VMEM((CH,), jnp.int32),
            pltpu.VMEM((CH, 16), f32),
            pltpu.VMEM((CH,), f32),
            pltpu.VMEM((NIMG,), f32),
            pltpu.VMEM((NIMG,), f32),
            pltpu.VMEM((16,), f32),
            pltpu.SemaphoreType.DMA,
        ],
    )(_sc_body)
    ipred, llp, cnp = sc(
        loc2.reshape(N), sig2.reshape(N), iobs, sigiobs, c42.reshape(N),
        image_id.astype(jnp.int32), hkl_in.astype(jnp.int32).reshape(N * 3),
        eps_scale.reshape(N * MC), zt, scal16)

    nll2 = pl.pallas_call(
        _comb,
        grid=(1,),
        in_specs=[pl.BlockSpec((NW, NIMG), lambda i: (0, 0)),
                  pl.BlockSpec((NW, NIMG), lambda i: (0, 0))],
        out_specs=pl.BlockSpec((1, NIMG), lambda i: (0, 0)),
        out_shape=jax.ShapeDtypeStruct((1, NIMG), f32),
    )(llp, cnp)

    kl_div = klacc[0, 0] / (NU * MC)
    scale_kl_div = sklacc[0, 0] / N
    return (ipred, nll2.reshape(NIMG), kl_div, scale_kl_div)

# --- scband reference (transcript-rebuilt; emitter-appended) ---
"""Pipeline reference for scband-variational-merging-model-43319040147766 (READ-ONLY COPY).

The authoritative reference and input builder live on the scoring server;
editing this copy changes nothing except your own understanding.
"""

import jax, jax.numpy as jnp
import numpy as np

N_REFLNS = 1000000
N_IMAGES = 10000
D_META = 10
MC = 4
HMAX = 32
N_UNIQUE = HMAX ** 3


def setup_inputs(seed: int = 0) -> dict:
    key = jax.random.key(seed)
    ks = jax.random.split(key, 12)
    metadata = jax.random.normal(ks[0], (N_REFLNS, D_META), dtype=jnp.float32)
    iobs = jax.random.uniform(ks[1], (N_REFLNS,), dtype=jnp.float32)
    sigiobs = jax.random.uniform(ks[2], (N_REFLNS,), dtype=jnp.float32) * 0.5 + 0.1
    image_id = jnp.sort(jax.random.randint(ks[3], (N_REFLNS,), 0, N_IMAGES))
    rasu_id = jax.random.randint(ks[4], (N_REFLNS,), 0, 1)
    hkl_in = jax.random.randint(ks[5], (N_REFLNS, 3), 0, HMAX)
    # learned parameters
    w_loc = jax.random.normal(ks[6], (D_META,), dtype=jnp.float32) * 0.01
    b_loc = jnp.zeros((), dtype=jnp.float32)
    w_sig = jax.random.normal(ks[7], (D_META,), dtype=jnp.float32) * 0.01
    b_sig = jnp.full((), -2.0, dtype=jnp.float32)
    q_loc = jax.random.normal(ks[8], (N_UNIQUE,), dtype=jnp.float32) * 0.1 + 1.0
    q_scale_raw = jnp.full((N_UNIQUE,), -2.0, dtype=jnp.float32)
    # reparameterization noise (fixed so reference is deterministic)
    eps_scale = jax.random.normal(ks[9], (N_REFLNS, MC), dtype=jnp.float32)
    eps_z = jax.random.normal(ks[10], (MC, N_UNIQUE), dtype=jnp.float32)
    return {
        "metadata": metadata, "iobs": iobs, "sigiobs": sigiobs,
        "w_loc": w_loc, "b_loc": b_loc, "w_sig": w_sig, "b_sig": b_sig,
        "q_loc": q_loc, "q_scale_raw": q_scale_raw,
        "eps_scale": eps_scale, "eps_z": eps_z,
        "image_id": image_id, "rasu_id": rasu_id, "hkl_in": hkl_in,
    }


def reference(metadata, iobs, sigiobs, w_loc, b_loc, w_sig, b_sig,
              q_loc, q_scale_raw, eps_scale, eps_z,
              image_id, rasu_id, hkl_in):
    LOG2PI = jnp.log(2.0 * jnp.pi)
    # --- standardize_inputs ---
    meta_mean = metadata.mean(axis=0, keepdims=True)
    meta_std = metadata.std(axis=0, keepdims=True) + 1e-6
    metadata_s = (metadata - meta_mean) / meta_std  # center=True
    i_std = jnp.sqrt(jnp.mean(jnp.square(iobs))) + 1e-6  # center=False
    iobs_s = iobs / i_std
    sigiobs_s = sigiobs / i_std
    # --- scale model: log-normal reparameterized samples, shape [N, MC] ---
    loc = metadata_s @ w_loc + b_loc
    sig = jax.nn.softplus(metadata_s @ w_sig + b_sig) + 1e-6
    scale = jnp.exp(loc[:, None] + sig[:, None] * eps_scale)
    scale_kl_div = jnp.mean(0.5 * (jnp.square(loc) + jnp.square(sig) - 2.0 * jnp.log(sig) - 1.0))
    # --- surrogate posterior samples z: [MC, N_UNIQUE] ---
    q_scale = jax.nn.softplus(q_scale_raw) + 1e-6
    z = q_loc[None, :] + q_scale[None, :] * eps_z
    # KL(q||p) via MC samples against standard normal prior
    log_q = -0.5 * jnp.square((z - q_loc[None, :]) / q_scale[None, :]) - jnp.log(q_scale[None, :]) - 0.5 * LOG2PI
    log_p = -0.5 * jnp.square(z) - 0.5 * LOG2PI
    kl_div = jnp.mean(log_q - log_p)
    # --- reindexing op: identity "x,y,z" ---
    hkl = hkl_in
    # rac.gather: map (rasu_id, hkl) -> row of structure-factor table (single rasu)
    flat_idx = (hkl[:, 0] * HMAX + hkl[:, 1]) * HMAX + hkl[:, 2]  # [N]
    f = jnp.take(z.T, flat_idx, axis=0)  # [N, MC] gather
    ipred = jnp.square(f) * scale  # Ipred = Scale * |F|^2, [N, MC]
    # --- likelihood: normal log-prob per reflection per sample ---
    ll = -0.5 * jnp.square((ipred - iobs_s[:, None]) / sigiobs_s[:, None]) - jnp.log(sigiobs_s[:, None]) - 0.5 * LOG2PI
    # --- average_by_images: scatter-add over image_id ---
    sums = jax.ops.segment_sum(ll, image_id, num_segments=N_IMAGES)  # [n_images, MC]
    counts = jnp.maximum(jnp.bincount(image_id, length=N_IMAGES), 1).astype(ll.dtype)
    ll_img = sums.sum(axis=1) / counts / MC  # [n_images]
    ipred_avg = jnp.mean(ipred, axis=-1)  # [N]
    return (ipred_avg, -ll_img, kl_div, scale_kl_div)

if __name__ == "__main__":
    import jax
    _d = setup_inputs()
    print(jax.jit(kernel)(*tuple(_d.values())))

</pallas_src>

<mosaic_0001>
#map = affine_map<(d0, d1) -> (0)>
#map1 = affine_map<(d0, d1) -> (0, 0)>
module attributes {stable_mosaic.version = 14 : i64} {
  func.func @_sc_body(%arg0: i32, %arg1: i32, %arg2: memref<1000000xf32, #tpu.memory_space<hbm>>, %arg3: memref<1000000xf32, #tpu.memory_space<hbm>>, %arg4: memref<1000000xf32, #tpu.memory_space<hbm>>, %arg5: memref<1000000xf32, #tpu.memory_space<hbm>>, %arg6: memref<1000000xf32, #tpu.memory_space<hbm>>, %arg7: memref<1000000xi32, #tpu.memory_space<hbm>>, %arg8: memref<3000000xi32, #tpu.memory_space<hbm>>, %arg9: memref<4000000xf32, #tpu.memory_space<hbm>>, %arg10: memref<32768x16xf32, #tpu.memory_space<hbm>>, %arg11: memref<16xf32, #tpu.memory_space<hbm>>, %arg12: memref<1000000xf32, #tpu.memory_space<hbm>>, %arg13: memref<32x10000xf32, #tpu.memory_space<hbm>>, %arg14: memref<32x10000xf32, #tpu.memory_space<hbm>>, %arg15: memref<1600xf32, #tpu.memory_space<vmem>>, %arg16: memref<1600xf32, #tpu.memory_space<vmem>>, %arg17: memref<1600xf32, #tpu.memory_space<vmem>>, %arg18: memref<1600xf32, #tpu.memory_space<vmem>>, %arg19: memref<1600xf32, #tpu.memory_space<vmem>>, %arg20: memref<1600xi32, #tpu.memory_space<vmem>>, %arg21: memref<4800xi32, #tpu.memory_space<vmem>>, %arg22: memref<6400xf32, #tpu.memory_space<vmem>>, %arg23: memref<1600xi32, #tpu.memory_space<vmem>>, %arg24: memref<1600x16xf32, #tpu.memory_space<vmem>>, %arg25: memref<1600xf32, #tpu.memory_space<vmem>>, %arg26: memref<10000xf32, #tpu.memory_space<vmem>>, %arg27: memref<10000xf32, #tpu.memory_space<vmem>>, %arg28: memref<16xf32, #tpu.memory_space<vmem>>, %arg29: memref<!tpu.dma_semaphore, #tpu.memory_space<semaphore_mem>>) attributes {dimension_semantics = [#tpu.dimension_semantics<core_parallel>, #tpu.dimension_semantics<subcore_parallel>], iteration_bounds = array<i64: 2, 16>, scalar_prefetch = 0 : i64, scratch_operands = 15 : i64, tpu.core_type = #tpu.core_type<sc_vector_subcore>, window_params = [{transform_indices = #map}, {transform_indices = #map}, {transform_indices = #map}, {transform_indices = #map}, {transform_indices = #map}, {transform_indices = #map}, {transform_indices = #map}, {transform_indices = #map}, {transform_indices = #map1}, {transform_indices = #map}, {transform_indices = #map}, {transform_indices = #map1}, {transform_indices = #map1}]} {
    %mul3A = arith.constant 2 : i32
    %mul3A_0 = arith.muli %arg1, %mul3A : i32
    %add3A = arith.addi %mul3A_0, %arg0 : i32
    %iota3A = tpu.iota {dimensions = array<i32: 0>} : vector<16xi32>
    %broadcast_in_dim3A = arith.constant 0.000000e+00 : f32
    %broadcast_in_dim3A_1 = vector.broadcast %broadcast_in_dim3A : f32 to vector<16xf32>
    %scan3A = arith.constant 0 : i32
    %scan3A_2 = arith.constant 625 : i32
    %scan3A_3 = arith.addi %scan3A, %scan3A_2 : i32
    %scan3A_4 = arith.constant 1 : i32
    scf.for %scan3A_12 = %scan3A to %scan3A_3 step %scan3A_4  : i32 {
      %mul3A_13 = arith.constant 16 : i32
      %mul3A_14 = arith.muli %scan3A_12, %mul3A_13 : i32
      %swap3A = arith.index_cast %mul3A_14 : i32 to index
      %swap3A_15 = tpu.vector_load %arg26[%swap3A] {strides = array<i32>} : memref<10000xf32, #tpu.memory_space<vmem>>, vector<16xf32>,
      tpu.vector_store %arg26[%swap3A], %broadcast_in_dim3A_1 {strides = array<i32>} : memref<10000xf32, #tpu.memory_space<vmem>>, vector<16xf32>,
      %mul3A_16 = arith.constant 16 : i32
      %mul3A_17 = arith.muli %scan3A_12, %mul3A_16 : i32
      %swap3A_18 = arith.index_cast %mul3A_17 : i32 to index
      %swap3A_19 = tpu.vector_load %arg27[%swap3A_18] {strides = array<i32>} : memref<10000xf32, #tpu.memory_space<vmem>>, vector<16xf32>,
      tpu.vector_store %arg27[%swap3A_18], %broadcast_in_dim3A_1 {strides = array<i32>} : memref<10000xf32, #tpu.memory_space<vmem>>, vector<16xf32>,
    }
    %scan3A_5 = arith.constant 625 : i32
    "tpu.region"() ({
      %run_scoped3A = tpu.sem_alloc : memref<!tpu.dma_semaphore, #tpu.memory_space<semaphore_mem>>
      tpu.enqueue_dma source(%arg11 : memref<16xf32, #tpu.memory_space<hbm>>) target(%arg28 : memref<16xf32, #tpu.memory_space<vmem>>) target_semaphore(%run_scoped3A : memref<!tpu.dma_semaphore, #tpu.memory_space<semaphore_mem>>)
      tpu.wait_dma2 semaphore(%run_scoped3A : memref<!tpu.dma_semaphore, #tpu.memory_space<semaphore_mem>>) src(%arg11 : memref<16xf32, #tpu.memory_space<hbm>>) dst(%arg28 : memref<16xf32, #tpu.memory_space<vmem>>)
      tpu.yield
    }) : () -> ()
    %get3A = arith.constant 0 : index
    %get3A_6 = tpu.vector_load %arg28[%get3A] {strides = array<i32>} : memref<16xf32, #tpu.memory_space<vmem>>, vector<16xf32>,
    %scan3A_7 = arith.constant 0 : i32
    %scan3A_8 = arith.constant 20 : i32
    %scan3A_9 = arith.addi %scan3A_7, %scan3A_8 : i32
    %scan3A_10 = arith.constant 1 : i32
    scf.for %scan3A_12 = %scan3A_7 to %scan3A_9 step %scan3A_10  : i32 {
      %mul3A_13 = arith.constant 32 : i32
      %mul3A_14 = arith.muli %mul3A_13, %scan3A_12 : i32
      %add3A_15 = arith.addi %add3A, %mul3A_14 : i32
      %lt3A = arith.constant 625 : i32
      %lt3A_16 = arith.cmpi slt, %add3A_15, %lt3A : i32
      %convert_element_type3A = arith.extui %lt3A_16 : i1 to i32
      %cond3A = arith.constant 0 : i32
      %cond3A_17 = arith.cmpi ne, %convert_element_type3A, %cond3A : i32
      scf.if %cond3A_17 {
        %mul3A_18 = arith.constant 1600 : i32
        %mul3A_19 = arith.muli %add3A_15, %mul3A_18 : i32
        "tpu.region"() ({
          %run_scoped3A = tpu.sem_alloc : memref<!tpu.dma_semaphore, #tpu.memory_space<semaphore_mem>>
          %dma_start3A_240 = tpu.memref_slice %arg2[%mul3A_19] : memref<1000000xf32, #tpu.memory_space<hbm>> -> memref<1600xf32, #tpu.memory_space<hbm>>
          %dma_start3A_241 = tpu.memref_slice %arg2[%mul3A_19] : memref<1000000xf32, #tpu.memory_space<hbm>> -> memref<1600xf32, #tpu.memory_space<hbm>>
          tpu.enqueue_dma source(%dma_start3A_241 : memref<1600xf32, #tpu.memory_space<hbm>>) target(%arg15 : memref<1600xf32, #tpu.memory_space<vmem>>) target_semaphore(%run_scoped3A : memref<!tpu.dma_semaphore, #tpu.memory_space<semaphore_mem>>)
          %dma_wait3A_242 = tpu.memref_slice %arg2[%mul3A_19] : memref<1000000xf32, #tpu.memory_space<hbm>> -> memref<1600xf32, #tpu.memory_space<hbm>>
          %dma_wait3A_243 = tpu.memref_slice %arg2[%mul3A_19] : memref<1000000xf32, #tpu.memory_space<hbm>> -> memref<1600xf32, #tpu.memory_space<hbm>>
          tpu.wait_dma2 semaphore(%run_scoped3A : memref<!tpu.dma_semaphore, #tpu.memory_space<semaphore_mem>>) src(%dma_wait3A_243 : memref<1600xf32, #tpu.memory_space<hbm>>) dst(%arg15 : memref<1600xf32, #tpu.memory_space<vmem>>)
          tpu.yield
        }) : () -> ()
        "tpu.region"() ({
          %run_scoped3A = tpu.sem_alloc : memref<!tpu.dma_semaphore, #tpu.memory_space<semaphore_mem>>
          %dma_start3A_240 = tpu.memref_slice %arg3[%mul3A_19] : memref<1000000xf32, #tpu.memory_space<hbm>> -> memref<1600xf32, #tpu.memory_space<hbm>>
          %dma_start3A_241 = tpu.memref_slice %arg3[%mul3A_19] : memref<1000000xf32, #tpu.memory_space<hbm>> -> memref<1600xf32, #tpu.memory_space<hbm>>
          tpu.enqueue_dma source(%dma_start3A_241 : memref<1600xf32, #tpu.memory_space<hbm>>) target(%arg16 : memref<1600xf32, #tpu.memory_space<vmem>>) target_semaphore(%run_scoped3A : memref<!tpu.dma_semaphore, #tpu.memory_space<semaphore_mem>>)
          %dma_wait3A_242 = tpu.memref_slice %arg3[%mul3A_19] : memref<1000000xf32, #tpu.memory_space<hbm>> -> memref<1600xf32, #tpu.memory_space<hbm>>
          %dma_wait3A_243 = tpu.memref_slice %arg3[%mul3A_19] : memref<1000000xf32, #tpu.memory_space<hbm>> -> memref<1600xf32, #tpu.memory_space<hbm>>
          tpu.wait_dma2 semaphore(%run_scoped3A : memref<!tpu.dma_semaphore, #tpu.memory_space<semaphore_mem>>) src(%dma_wait3A_243 : memref<1600xf32, #tpu.memory_space<hbm>>) dst(%arg16 : memref<1600xf32, #tpu.memory_space<vmem>>)
          tpu.yield
        }) : () -> ()
        "tpu.region"() ({
          %run_scoped3A = tpu.sem_alloc : memref<!tpu.dma_semaphore, #tpu.memory_space<semaphore_mem>>
          %dma_start3A_240 = tpu.memref_slice %arg4[%mul3A_19] : memref<1000000xf32, #tpu.memory_space<hbm>> -> memref<1600xf32, #tpu.memory_space<hbm>>
          %dma_start3A_241 = tpu.memref_slice %arg4[%mul3A_19] : memref<1000000xf32, #tpu.memory_space<hbm>> -> memref<1600xf32, #tpu.memory_space<hbm>>
          tpu.enqueue_dma source(%dma_start3A_241 : memref<1600xf32, #tpu.memory_space<hbm>>) target(%arg17 : memref<1600xf32, #tpu.memory_space<vmem>>) target_semaphore(%run_scoped3A : memref<!tpu.dma_semaphore, #tpu.memory_space<semaphore_mem>>)
          %dma_wait3A_242 = tpu.memref_slice %arg4[%mul3A_19] : memref<1000000xf32, #tpu.memory_space<hbm>> -> memref<1600xf32, #tpu.memory_space<hbm>>
          %dma_wait3A_243 = tpu.memref_slice %arg4[%mul3A_19] : memref<1000000xf32, #tpu.memory_space<hbm>> -> memref<1600xf32, #tpu.memory_space<hbm>>
          tpu.wait_dma2 semaphore(%run_scoped3A : memref<!tpu.dma_semaphore, #tpu.memory_space<semaphore_mem>>) src(%dma_wait3A_243 : memref<1600xf32, #tpu.memory_space<hbm>>) dst(%arg17 : memref<1600xf32, #tpu.memory_space<vmem>>)
          tpu.yield
        }) : () -> ()
        "tpu.region"() ({
          %run_scoped3A = tpu.sem_alloc : memref<!tpu.dma_semaphore, #tpu.memory_space<semaphore_mem>>
          %dma_start3A_240 = tpu.memref_slice %arg5[%mul3A_19] : memref<1000000xf32, #tpu.memory_space<hbm>> -> memref<1600xf32, #tpu.memory_space<hbm>>
          %dma_start3A_241 = tpu.memref_slice %arg5[%mul3A_19] : memref<1000000xf32, #tpu.memory_space<hbm>> -> memref<1600xf32, #tpu.memory_space<hbm>>
          tpu.enqueue_dma source(%dma_start3A_241 : memref<1600xf32, #tpu.memory_space<hbm>>) target(%arg18 : memref<1600xf32, #tpu.memory_space<vmem>>) target_semaphore(%run_scoped3A : memref<!tpu.dma_semaphore, #tpu.memory_space<semaphore_mem>>)
          %dma_wait3A_242 = tpu.memref_slice %arg5[%mul3A_19] : memref<1000000xf32, #tpu.memory_space<hbm>> -> memref<1600xf32, #tpu.memory_space<hbm>>
          %dma_wait3A_243 = tpu.memref_slice %arg5[%mul3A_19] : memref<1000000xf32, #tpu.memory_space<hbm>> -> memref<1600xf32, #tpu.memory_space<hbm>>
          tpu.wait_dma2 semaphore(%run_scoped3A : memref<!tpu.dma_semaphore, #tpu.memory_space<semaphore_mem>>) src(%dma_wait3A_243 : memref<1600xf32, #tpu.memory_space<hbm>>) dst(%arg18 : memref<1600xf32, #tpu.memory_space<vmem>>)
          tpu.yield
        }) : () -> ()
        "tpu.region"() ({
          %run_scoped3A = tpu.sem_alloc : memref<!tpu.dma_semaphore, #tpu.memory_space<semaphore_mem>>
          %dma_start3A_240 = tpu.memref_slice %arg6[%mul3A_19] : memref<1000000xf32, #tpu.memory_space<hbm>> -> memref<1600xf32, #tpu.memory_space<hbm>>
          %dma_start3A_241 = tpu.memref_slice %arg6[%mul3A_19] : memref<1000000xf32, #tpu.memory_space<hbm>> -> memref<1600xf32, #tpu.memory_space<hbm>>
          tpu.enqueue_dma source(%dma_start3A_241 : memref<1600xf32, #tpu.memory_space<hbm>>) target(%arg19 : memref<1600xf32, #tpu.memory_space<vmem>>) target_semaphore(%run_scoped3A : memref<!tpu.dma_semaphore, #tpu.memory_space<semaphore_mem>>)
          %dma_wait3A_242 = tpu.memref_slice %arg6[%mul3A_19] : memref<1000000xf32, #tpu.memory_space<hbm>> -> memref<1600xf32, #tpu.memory_space<hbm>>
          %dma_wait3A_243 = tpu.memref_slice %arg6[%mul3A_19] : memref<1000000xf32, #tpu.memory_space<hbm>> -> memref<1600xf32, #tpu.memory_space<hbm>>
          tpu.wait_dma2 semaphore(%run_scoped3A : memref<!tpu.dma_semaphore, #tpu.memory_space<semaphore_mem>>) src(%dma_wait3A_243 : memref<1600xf32, #tpu.memory_space<hbm>>) dst(%arg19 : memref<1600xf32, #tpu.memory_space<vmem>>)
          tpu.yield
        }) : () -> ()
        "tpu.region"() ({
          %run_scoped3A = tpu.sem_alloc : memref<!tpu.dma_semaphore, #tpu.memory_space<semaphore_mem>>
          %dma_start3A_240 = tpu.memref_slice %arg7[%mul3A_19] : memref<1000000xi32, #tpu.memory_space<hbm>> -> memref<1600xi32, #tpu.memory_space<hbm>>
          %dma_start3A_241 = tpu.memref_slice %arg7[%mul3A_19] : memref<1000000xi32, #tpu.memory_space<hbm>> -> memref<1600xi32, #tpu.memory_space<hbm>>
          tpu.enqueue_dma source(%dma_start3A_241 : memref<1600xi32, #tpu.memory_space<hbm>>) target(%arg20 : memref<1600xi32, #tpu.memory_space<vmem>>) target_semaphore(%run_scoped3A : memref<!tpu.dma_semaphore, #tpu.memory_space<semaphore_mem>>)
          %dma_wait3A_242 = tpu.memref_slice %arg7[%mul3A_19] : memref<1000000xi32, #tpu.memory_space<hbm>> -> memref<1600xi32, #tpu.memory_space<hbm>>
          %dma_wait3A_243 = tpu.memref_slice %arg7[%mul3A_19] : memref<1000000xi32, #tpu.memory_space<hbm>> -> memref<1600xi32, #tpu.memory_space<hbm>>
          tpu.wait_dma2 semaphore(%run_scoped3A : memref<!tpu.dma_semaphore, #tpu.memory_space<semaphore_mem>>) src(%dma_wait3A_243 : memref<1600xi32, #tpu.memory_space<hbm>>) dst(%arg20 : memref<1600xi32, #tpu.memory_space<vmem>>)
          tpu.yield
        }) : () -> ()
        %mul3A_20 = arith.constant 3 : i32
        %mul3A_21 = arith.muli %mul3A_19, %mul3A_20 : i32
        "tpu.region"() ({
          %run_scoped3A = tpu.sem_alloc : memref<!tpu.dma_semaphore, #tpu.memory_space<semaphore_mem>>
          %dma_start3A_240 = tpu.memref_slice %arg8[%mul3A_21] : memref<3000000xi32, #tpu.memory_space<hbm>> -> memref<4800xi32, #tpu.memory_space<hbm>>
          %dma_start3A_241 = tpu.memref_slice %arg8[%mul3A_21] : memref<3000000xi32, #tpu.memory_space<hbm>> -> memref<4800xi32, #tpu.memory_space<hbm>>
          tpu.enqueue_dma source(%dma_start3A_241 : memref<4800xi32, #tpu.memory_space<hbm>>) target(%arg21 : memref<4800xi32, #tpu.memory_space<vmem>>) target_semaphore(%run_scoped3A : memref<!tpu.dma_semaphore, #tpu.memory_space<semaphore_mem>>)
          %dma_wait3A_242 = tpu.memref_slice %arg8[%mul3A_21] : memref<3000000xi32, #tpu.memory_space<hbm>> -> memref<4800xi32, #tpu.memory_space<hbm>>
          %dma_wait3A_243 = tpu.memref_slice %arg8[%mul3A_21] : memref<3000000xi32, #tpu.memory_space<hbm>> -> memref<4800xi32, #tpu.memory_space<hbm>>
          tpu.wait_dma2 semaphore(%run_scoped3A : memref<!tpu.dma_semaphore, #tpu.memory_space<semaphore_mem>>) src(%dma_wait3A_243 : memref<4800xi32, #tpu.memory_space<hbm>>) dst(%arg21 : memref<4800xi32, #tpu.memory_space<vmem>>)
          tpu.yield
        }) : () -> ()
        %mul3A_22 = arith.constant 4 : i32
        %mul3A_23 = arith.muli %mul3A_19, %mul3A_22 : i32
        "tpu.region"() ({
          %run_scoped3A = tpu.sem_alloc : memref<!tpu.dma_semaphore, #tpu.memory_space<semaphore_mem>>
          %dma_start3A_240 = tpu.memref_slice %arg9[%mul3A_23] : memref<4000000xf32, #tpu.memory_space<hbm>> -> memref<6400xf32, #tpu.memory_space<hbm>>
          %dma_start3A_241 = tpu.memref_slice %arg9[%mul3A_23] : memref<4000000xf32, #tpu.memory_space<hbm>> -> memref<6400xf32, #tpu.memory_space<hbm>>
          tpu.enqueue_dma source(%dma_start3A_241 : memref<6400xf32, #tpu.memory_space<hbm>>) target(%arg22 : memref<6400xf32, #tpu.memory_space<vmem>>) target_semaphore(%run_scoped3A : memref<!tpu.dma_semaphore, #tpu.memory_space<semaphore_mem>>)
          %dma_wait3A_242 = tpu.memref_slice %arg9[%mul3A_23] : memref<4000000xf32, #tpu.memory_space<hbm>> -> memref<6400xf32, #tpu.memory_space<hbm>>
          %dma_wait3A_243 = tpu.memref_slice %arg9[%mul3A_23] : memref<4000000xf32, #tpu.memory_space<hbm>> -> memref<6400xf32, #tpu.memory_space<hbm>>
          tpu.wait_dma2 semaphore(%run_scoped3A : memref<!tpu.dma_semaphore, #tpu.memory_space<semaphore_mem>>) src(%dma_wait3A_243 : memref<6400xf32, #tpu.memory_space<hbm>>) dst(%arg22 : memref<6400xf32, #tpu.memory_space<vmem>>)
          tpu.yield
        }) : () -> ()
        %scan3A_24 = arith.constant 0 : i32
        %scan3A_25 = arith.constant 100 : i32
        %scan3A_26 = arith.addi %scan3A_24, %scan3A_25 : i32
        %scan3A_27 = arith.constant 1 : i32
        scf.for %scan3A_240 = %scan3A_24 to %scan3A_26 step %scan3A_27  : i32 {
          %mul3A_241 = arith.constant 48 : i32
          %mul3A_242 = arith.muli %scan3A_240, %mul3A_241 : i32
          %mul3A_243 = arith.constant 3 : i32
          %mul3A_244 = vector.broadcast %mul3A_243 : i32 to vector<16xi32>
          %mul3A_245 = arith.muli %iota3A, %mul3A_244 : vector<16xi32>
          %add3A_246 = vector.broadcast %mul3A_242 : i32 to vector<16xi32>
          %add3A_247 = arith.addi %add3A_246, %mul3A_245 : vector<16xi32>
          %gather3A = tpu.vector_load_idx %arg21[%add3A_247] : memref<4800xi32, #tpu.memory_space<vmem>>[vector<16xi32>], vector<16xi32>,
          %mul3A_248 = arith.constant 3 : i32
          %mul3A_249 = vector.broadcast %mul3A_248 : i32 to vector<16xi32>
          %mul3A_250 = arith.muli %iota3A, %mul3A_249 : vector<16xi32>
          %add3A_251 = vector.broadcast %mul3A_242 : i32 to vector<16xi32>
          %add3A_252 = arith.addi %add3A_251, %mul3A_250 : vector<16xi32>
          %add3A_253 = arith.constant 1 : i32
          %add3A_254 = vector.broadcast %add3A_253 : i32 to vector<16xi32>
          %add3A_255 = arith.addi %add3A_252, %add3A_254 : vector<16xi32>
          %gather3A_256 = tpu.vector_load_idx %arg21[%add3A_255] : memref<4800xi32, #tpu.memory_space<vmem>>[vector<16xi32>], vector<16xi32>,
          %mul3A_257 = arith.constant 3 : i32
          %mul3A_258 = vector.broadcast %mul3A_257 : i32 to vector<16xi32>
          %mul3A_259 = arith.muli %iota3A, %mul3A_258 : vector<16xi32>
          %add3A_260 = vector.broadcast %mul3A_242 : i32 to vector<16xi32>
          %add3A_261 = arith.addi %add3A_260, %mul3A_259 : vector<16xi32>
          %add3A_262 = arith.constant 2 : i32
          %add3A_263 = vector.broadcast %add3A_262 : i32 to vector<16xi32>
          %add3A_264 = arith.addi %add3A_261, %add3A_263 : vector<16xi32>
          %gather3A_265 = tpu.vector_load_idx %arg21[%add3A_264] : memref<4800xi32, #tpu.memory_space<vmem>>[vector<16xi32>], vector<16xi32>,
          %mul3A_266 = arith.constant 32 : i32
          %mul3A_267 = vector.broadcast %mul3A_266 : i32 to vector<16xi32>
          %mul3A_268 = arith.muli %gather3A, %mul3A_267 : vector<16xi32>
          %add3A_269 = arith.addi %mul3A_268, %gather3A_256 : vector<16xi32>
          %mul3A_270 = arith.constant 32 : i32
          %mul3A_271 = vector.broadcast %mul3A_270 : i32 to vector<16xi32>
          %mul3A_272 = arith.muli %add3A_269, %mul3A_271 : vector<16xi32>
          %add3A_273 = arith.addi %mul3A_272, %gather3A_265 : vector<16xi32>
          %mul3A_274 = arith.constant 16 : i32
          %mul3A_275 = arith.muli %scan3A_240, %mul3A_274 : i32
          %swap3A = arith.index_cast %mul3A_275 : i32 to index
          %swap3A_276 = tpu.vector_load %arg23[%swap3A] {strides = array<i32>} : memref<1600xi32, #tpu.memory_space<vmem>>, vector<16xi32>,
          tpu.vector_store %arg23[%swap3A], %add3A_273 {strides = array<i32>} : memref<1600xi32, #tpu.memory_space<vmem>>, vector<16xi32>,
        }
        %scan3A_28 = arith.constant 100 : i32
        %dma_start3A = arith.constant 0 : i32
        %dma_start3A_29 = arith.constant 0 : i32
        %dma_start3A_30 = tpu.memref_slice %arg24[%dma_start3A, %dma_start3A_29] : memref<1600x16xf32, #tpu.memory_space<vmem>> -> memref<128x16xf32, #tpu.memory_space<vmem>>
        %dma_start3A_31 = arith.constant 0 : i32
        %dma_start3A_32 = tpu.memref_slice %arg23[%dma_start3A_31] : memref<1600xi32, #tpu.memory_space<vmem>> -> memref<128xi32, #tpu.memory_space<vmem>>
        %dma_start3A_33 = arith.constant 0 : i32
        %dma_start3A_34 = arith.constant 0 : i32
        %dma_start3A_35 = tpu.memref_slice %arg10[%dma_start3A_33, %dma_start3A_34] : memref<32768x16xf32, #tpu.memory_space<hbm>> -> memref<32768x16xf32, #tpu.memory_space<hbm>>
        tpu.enqueue_indirect_dma source(%dma_start3A_35 : memref<32768x16xf32, #tpu.memory_space<hbm>>) target(%dma_start3A_30 : memref<128x16xf32, #tpu.memory_space<vmem>>) offsets(%dma_start3A_32 : memref<128xi32, #tpu.memory_space<vmem>>) semaphore(%arg29 : memref<!tpu.dma_semaphore, #tpu.memory_space<semaphore_mem>>)
        %dma_start3A_36 = arith.constant 128 : i32
        %dma_start3A_37 = arith.constant 0 : i32
        %dma_start3A_38 = tpu.memref_slice %arg24[%dma_start3A_36, %dma_start3A_37] : memref<1600x16xf32, #tpu.memory_space<vmem>> -> memref<128x16xf32, #tpu.memory_space<vmem>>
        %dma_start3A_39 = arith.constant 128 : i32
        %dma_start3A_40 = tpu.memref_slice %arg23[%dma_start3A_39] : memref<1600xi32, #tpu.memory_space<vmem>> -> memref<128xi32, #tpu.memory_space<vmem>>
        %dma_start3A_41 = arith.constant 0 : i32
        %dma_start3A_42 = arith.constant 0 : i32
        %dma_start3A_43 = tpu.memref_slice %arg10[%dma_start3A_41, %dma_start3A_42] : memref<32768x16xf32, #tpu.memory_space<hbm>> -> memref<32768x16xf32, #tpu.memory_space<hbm>>
        tpu.enqueue_indirect_dma source(%dma_start3A_43 : memref<32768x16xf32, #tpu.memory_space<hbm>>) target(%dma_start3A_38 : memref<128x16xf32, #tpu.memory_space<vmem>>) offsets(%dma_start3A_40 : memref<128xi32, #tpu.memory_space<vmem>>) semaphore(%arg29 : memref<!tpu.dma_semaphore, #tpu.memory_space<semaphore_mem>>)
        %dma_start3A_44 = arith.constant 256 : i32
        %dma_start3A_45 = arith.constant 0 : i32
        %dma_start3A_46 = tpu.memref_slice %arg24[%dma_start3A_44, %dma_start3A_45] : memref<1600x16xf32, #tpu.memory_space<vmem>> -> memref<128x16xf32, #tpu.memory_space<vmem>>
        %dma_start3A_47 = arith.constant 256 : i32
        %dma_start3A_48 = tpu.memref_slice %arg23[%dma_start3A_47] : memref<1600xi32, #tpu.memory_space<vmem>> -> memref<128xi32, #tpu.memory_space<vmem>>
        %dma_start3A_49 = arith.constant 0 : i32
        %dma_start3A_50 = arith.constant 0 : i32
        %dma_start3A_51 = tpu.memref_slice %arg10[%dma_start3A_49, %dma_start3A_50] : memref<32768x16xf32, #tpu.memory_space<hbm>> -> memref<32768x16xf32, #tpu.memory_space<hbm>>
        tpu.enqueue_indirect_dma source(%dma_start3A_51 : memref<32768x16xf32, #tpu.memory_space<hbm>>) target(%dma_start3A_46 : memref<128x16xf32, #tpu.memory_space<vmem>>) offsets(%dma_start3A_48 : memref<128xi32, #tpu.memory_space<vmem>>) semaphore(%arg29 : memref<!tpu.dma_semaphore, #tpu.memory_space<semaphore_mem>>)
        %dma_start3A_52 = arith.constant 384 : i32
        %dma_start3A_53 = arith.constant 0 : i32
        %dma_start3A_54 = tpu.memref_slice %arg24[%dma_start3A_52, %dma_start3A_53] : memref<1600x16xf32, #tpu.memory_space<vmem>> -> memref<128x16xf32, #tpu.memory_space<vmem>>
        %dma_start3A_55 = arith.constant 384 : i32
        %dma_start3A_56 = tpu.memref_slice %arg23[%dma_start3A_55] : memref<1600xi32, #tpu.memory_space<vmem>> -> memref<128xi32, #tpu.memory_space<vmem>>
        %dma_start3A_57 = arith.constant 0 : i32
        %dma_start3A_58 = arith.constant 0 : i32
        %dma_start3A_59 = tpu.memref_slice %arg10[%dma_start3A_57, %dma_start3A_58] : memref<32768x16xf32, #tpu.memory_space<hbm>> -> memref<32768x16xf32, #tpu.memory_space<hbm>>
        tpu.enqueue_indirect_dma source(%dma_start3A_59 : memref<32768x16xf32, #tpu.memory_space<hbm>>) target(%dma_start3A_54 : memref<128x16xf32, #tpu.memory_space<vmem>>) offsets(%dma_start3A_56 : memref<128xi32, #tpu.memory_space<vmem>>) semaphore(%arg29 : memref<!tpu.dma_semaphore, #tpu.memory_space<semaphore_mem>>)
        %dma_start3A_60 = arith.constant 512 : i32
        %dma_start3A_61 = arith.constant 0 : i32
        %dma_start3A_62 = tpu.memref_slice %arg24[%dma_start3A_60, %dma_start3A_61] : memref<1600x16xf32, #tpu.memory_space<vmem>> -> memref<128x16xf32, #tpu.memory_space<vmem>>
        %dma_start3A_63 = arith.constant 512 : i32
        %dma_start3A_64 = tpu.memref_slice %arg23[%dma_start3A_63] : memref<1600xi32, #tpu.memory_space<vmem>> -> memref<128xi32, #tpu.memory_space<vmem>>
        %dma_start3A_65 = arith.constant 0 : i32
        %dma_start3A_66 = arith.constant 0 : i32
        %dma_start3A_67 = tpu.memref_slice %arg10[%dma_start3A_65, %dma_start3A_66] : memref<32768x16xf32, #tpu.memory_space<hbm>> -> memref<32768x16xf32, #tpu.memory_space<hbm>>
        tpu.enqueue_indirect_dma source(%dma_start3A_67 : memref<32768x16xf32, #tpu.memory_space<hbm>>) target(%dma_start3A_62 : memref<128x16xf32, #tpu.memory_space<vmem>>) offsets(%dma_start3A_64 : memref<128xi32, #tpu.memory_space<vmem>>) semaphore(%arg29 : memref<!tpu.dma_semaphore, #tpu.memory_space<semaphore_mem>>)
        %dma_start3A_68 = arith.constant 640 : i32
        %dma_start3A_69 = arith.constant 0 : i32
        %dma_start3A_70 = tpu.memref_slice %arg24[%dma_start3A_68, %dma_start3A_69] : memref<1600x16xf32, #tpu.memory_space<vmem>> -> memref<128x16xf32, #tpu.memory_space<vmem>>
        %dma_start3A_71 = arith.constant 640 : i32
        %dma_start3A_72 = tpu.memref_slice %arg23[%dma_start3A_71] : memref<1600xi32, #tpu.memory_space<vmem>> -> memref<128xi32, #tpu.memory_space<vmem>>
        %dma_start3A_73 = arith.constant 0 : i32
        %dma_start3A_74 = arith.constant 0 : i32
        %dma_start3A_75 = tpu.memref_slice %arg10[%dma_start3A_73, %dma_start3A_74] : memref<32768x16xf32, #tpu.memory_space<hbm>> -> memref<32768x16xf32, #tpu.memory_space<hbm>>
        tpu.enqueue_indirect_dma source(%dma_start3A_75 : memref<32768x16xf32, #tpu.memory_space<hbm>>) target(%dma_start3A_70 : memref<128x16xf32, #tpu.memory_space<vmem>>) offsets(%dma_start3A_72 : memref<128xi32, #tpu.memory_space<vmem>>) semaphore(%arg29 : memref<!tpu.dma_semaphore, #tpu.memory_space<semaphore_mem>>)
        %dma_start3A_76 = arith.constant 768 : i32
        %dma_start3A_77 = arith.constant 0 : i32
        %dma_start3A_78 = tpu.memref_slice %arg24[%dma_start3A_76, %dma_start3A_77] : memref<1600x16xf32, #tpu.memory_space<vmem>> -> memref<128x16xf32, #tpu.memory_space<vmem>>
        %dma_start3A_79 = arith.constant 768 : i32
        %dma_start3A_80 = tpu.memref_slice %arg23[%dma_start3A_79] : memref<1600xi32, #tpu.memory_space<vmem>> -> memref<128xi32, #tpu.memory_space<vmem>>
        %dma_start3A_81 = arith.constant 0 : i32
        %dma_start3A_82 = arith.constant 0 : i32
        %dma_start3A_83 = tpu.memref_slice %arg10[%dma_start3A_81, %dma_start3A_82] : memref<32768x16xf32, #tpu.memory_space<hbm>> -> memref<32768x16xf32, #tpu.memory_space<hbm>>
        tpu.enqueue_indirect_dma source(%dma_start3A_83 : memref<32768x16xf32, #tpu.memory_space<hbm>>) target(%dma_start3A_78 : memref<128x16xf32, #tpu.memory_space<vmem>>) offsets(%dma_start3A_80 : memref<128xi32, #tpu.memory_space<vmem>>) semaphore(%arg29 : memref<!tpu.dma_semaphore, #tpu.memory_space<semaphore_mem>>)
        %dma_start3A_84 = arith.constant 896 : i32
        %dma_start3A_85 = arith.constant 0 : i32
        %dma_start3A_86 = tpu.memref_slice %arg24[%dma_start3A_84, %dma_start3A_85] : memref<1600x16xf32, #tpu.memory_space<vmem>> -> memref<128x16xf32, #tpu.memory_space<vmem>>
        %dma_start3A_87 = arith.constant 896 : i32
        %dma_start3A_88 = tpu.memref_slice %arg23[%dma_start3A_87] : memref<1600xi32, #tpu.memory_space<vmem>> -> memref<128xi32, #tpu.memory_space<vmem>>
        %dma_start3A_89 = arith.constant 0 : i32
        %dma_start3A_90 = arith.constant 0 : i32
        %dma_start3A_91 = tpu.memref_slice %arg10[%dma_start3A_89, %dma_start3A_90] : memref<32768x16xf32, #tpu.memory_space<hbm>> -> memref<32768x16xf32, #tpu.memory_space<hbm>>
        tpu.enqueue_indirect_dma source(%dma_start3A_91 : memref<32768x16xf32, #tpu.memory_space<hbm>>) target(%dma_start3A_86 : memref<128x16xf32, #tpu.memory_space<vmem>>) offsets(%dma_start3A_88 : memref<128xi32, #tpu.memory_space<vmem>>) semaphore(%arg29 : memref<!tpu.dma_semaphore, #tpu.memory_space<semaphore_mem>>)
        %dma_start3A_92 = arith.constant 1024 : i32
        %dma_start3A_93 = arith.constant 0 : i32
        %dma_start3A_94 = tpu.memref_slice %arg24[%dma_start3A_92, %dma_start3A_93] : memref<1600x16xf32, #tpu.memory_space<vmem>> -> memref<128x16xf32, #tpu.memory_space<vmem>>
        %dma_start3A_95 = arith.constant 1024 : i32
        %dma_start3A_96 = tpu.memref_slice %arg23[%dma_start3A_95] : memref<1600xi32, #tpu.memory_space<vmem>> -> memref<128xi32, #tpu.memory_space<vmem>>
        %dma_start3A_97 = arith.constant 0 : i32
        %dma_start3A_98 = arith.constant 0 : i32
        %dma_start3A_99 = tpu.memref_slice %arg10[%dma_start3A_97, %dma_start3A_98] : memref<32768x16xf32, #tpu.memory_space<hbm>> -> memref<32768x16xf32, #tpu.memory_space<hbm>>
        tpu.enqueue_indirect_dma source(%dma_start3A_99 : memref<32768x16xf32, #tpu.memory_space<hbm>>) target(%dma_start3A_94 : memref<128x16xf32, #tpu.memory_space<vmem>>) offsets(%dma_start3A_96 : memref<128xi32, #tpu.memory_space<vmem>>) semaphore(%arg29 : memref<!tpu.dma_semaphore, #tpu.memory_space<semaphore_mem>>)
        %dma_start3A_100 = arith.constant 1152 : i32
        %dma_start3A_101 = arith.constant 0 : i32
        %dma_start3A_102 = tpu.memref_slice %arg24[%dma_start3A_100, %dma_start3A_101] : memref<1600x16xf32, #tpu.memory_space<vmem>> -> memref<128x16xf32, #tpu.memory_space<vmem>>
        %dma_start3A_103 = arith.constant 1152 : i32
        %dma_start3A_104 = tpu.memref_slice %arg23[%dma_start3A_103] : memref<1600xi32, #tpu.memory_space<vmem>> -> memref<128xi32, #tpu.memory_space<vmem>>
        %dma_start3A_105 = arith.constant 0 : i32
        %dma_start3A_106 = arith.constant 0 : i32
        %dma_start3A_107 = tpu.memref_slice %arg10[%dma_start3A_105, %dma_start3A_106] : memref<32768x16xf32, #tpu.memory_space<hbm>> -> memref<32768x16xf32, #tpu.memory_space<hbm>>
        tpu.enqueue_indirect_dma source(%dma_start3A_107 : memref<32768x16xf32, #tpu.memory_space<hbm>>) target(%dma_start3A_102 : memref<128x16xf32, #tpu.memory_space<vmem>>) offsets(%dma_start3A_104 : memref<128xi32, #tpu.memory_space<vmem>>) semaphore(%arg29 : memref<!tpu.dma_semaphore, #tpu.memory_space<semaphore_mem>>)
        %dma_start3A_108 = arith.constant 1280 : i32
        %dma_start3A_109 = arith.constant 0 : i32
        %dma_start3A_110 = tpu.memref_slice %arg24[%dma_start3A_108, %dma_start3A_109] : memref<1600x16xf32, #tpu.memory_space<vmem>> -> memref<128x16xf32, #tpu.memory_space<vmem>>
        %dma_start3A_111 = arith.constant 1280 : i32
        %dma_start3A_112 = tpu.memref_slice %arg23[%dma_start3A_111] : memref<1600xi32, #tpu.memory_space<vmem>> -> memref<128xi32, #tpu.memory_space<vmem>>
        %dma_start3A_113 = arith.constant 0 : i32
        %dma_start3A_114 = arith.constant 0 : i32
        %dma_start3A_115 = tpu.memref_slice %arg10[%dma_start3A_113, %dma_start3A_114] : memref<32768x16xf32, #tpu.memory_space<hbm>> -> memref<32768x16xf32, #tpu.memory_space<hbm>>
        tpu.enqueue_indirect_dma source(%dma_start3A_115 : memref<32768x16xf32, #tpu.memory_space<hbm>>) target(%dma_start3A_110 : memref<128x16xf32, #tpu.memory_space<vmem>>) offsets(%dma_start3A_112 : memref<128xi32, #tpu.memory_space<vmem>>) semaphore(%arg29 : memref<!tpu.dma_semaphore, #tpu.memory_space<semaphore_mem>>)
        %dma_start3A_116 = arith.constant 1408 : i32
        %dma_start3A_117 = arith.constant 0 : i32
        %dma_start3A_118 = tpu.memref_slice %arg24[%dma_start3A_116, %dma_start3A_117] : memref<1600x16xf32, #tpu.memory_space<vmem>> -> memref<128x16xf32, #tpu.memory_space<vmem>>
        %dma_start3A_119 = arith.constant 1408 : i32
        %dma_start3A_120 = tpu.memref_slice %arg23[%dma_start3A_119] : memref<1600xi32, #tpu.memory_space<vmem>> -> memref<128xi32, #tpu.memory_space<vmem>>
        %dma_start3A_121 = arith.constant 0 : i32
        %dma_start3A_122 = arith.constant 0 : i32
        %dma_start3A_123 = tpu.memref_slice %arg10[%dma_start3A_121, %dma_start3A_122] : memref<32768x16xf32, #tpu.memory_space<hbm>> -> memref<32768x16xf32, #tpu.memory_space<hbm>>
        tpu.enqueue_indirect_dma source(%dma_start3A_123 : memref<32768x16xf32, #tpu.memory_space<hbm>>) target(%dma_start3A_118 : memref<128x16xf32, #tpu.memory_space<vmem>>) offsets(%dma_start3A_120 : memref<128xi32, #tpu.memory_space<vmem>>) semaphore(%arg29 : memref<!tpu.dma_semaphore, #tpu.memory_space<semaphore_mem>>)
        %dma_start3A_124 = arith.constant 1536 : i32
        %dma_start3A_125 = arith.constant 0 : i32
        %dma_start3A_126 = tpu.memref_slice %arg24[%dma_start3A_124, %dma_start3A_125] : memref<1600x16xf32, #tpu.memory_space<vmem>> -> memref<64x16xf32, #tpu.memory_space<vmem>>
        %dma_start3A_127 = arith.constant 1536 : i32
        %dma_start3A_128 = tpu.memref_slice %arg23[%dma_start3A_127] : memref<1600xi32, #tpu.memory_space<vmem>> -> memref<64xi32, #tpu.memory_space<vmem>>
        %dma_start3A_129 = arith.constant 0 : i32
        %dma_start3A_130 = arith.constant 0 : i32
        %dma_start3A_131 = tpu.memref_slice %arg10[%dma_start3A_129, %dma_start3A_130] : memref<32768x16xf32, #tpu.memory_space<hbm>> -> memref<32768x16xf32, #tpu.memory_space<hbm>>
        tpu.enqueue_indirect_dma source(%dma_start3A_131 : memref<32768x16xf32, #tpu.memory_space<hbm>>) target(%dma_start3A_126 : memref<64x16xf32, #tpu.memory_space<vmem>>) offsets(%dma_start3A_128 : memref<64xi32, #tpu.memory_space<vmem>>) semaphore(%arg29 : memref<!tpu.dma_semaphore, #tpu.memory_space<semaphore_mem>>)
        %dma_wait3A = arith.constant 0 : i32
        %dma_wait3A_132 = arith.constant 0 : i32
        %dma_wait3A_133 = tpu.memref_slice %arg24[%dma_wait3A, %dma_wait3A_132] : memref<1600x16xf32, #tpu.memory_space<vmem>> -> memref<128x16xf32, #tpu.memory_space<vmem>>
        %dma_wait3A_134 = arith.constant 0 : i32
        %dma_wait3A_135 = tpu.memref_slice %arg23[%dma_wait3A_134] : memref<1600xi32, #tpu.memory_space<vmem>> -> memref<128xi32, #tpu.memory_space<vmem>>
        %dma_wait3A_136 = arith.constant 0 : i32
        %dma_wait3A_137 = arith.constant 0 : i32
        %dma_wait3A_138 = tpu.memref_slice %arg10[%dma_wait3A_136, %dma_wait3A_137] : memref<32768x16xf32, #tpu.memory_space<hbm>> -> memref<32768x16xf32, #tpu.memory_space<hbm>>
        tpu.wait_indirect_dma semaphore(%arg29 : memref<!tpu.dma_semaphore, #tpu.memory_space<semaphore_mem>>) src(%dma_wait3A_138 : memref<32768x16xf32, #tpu.memory_space<hbm>>) dst(%dma_wait3A_133 : memref<128x16xf32, #tpu.memory_space<vmem>>)
        %dma_wait3A_139 = arith.constant 128 : i32
        %dma_wait3A_140 = arith.constant 0 : i32
        %dma_wait3A_141 = tpu.memref_slice %arg24[%dma_wait3A_139, %dma_wait3A_140] : memref<1600x16xf32, #tpu.memory_space<vmem>> -> memref<128x16xf32, #tpu.memory_space<vmem>>
        %dma_wait3A_142 = arith.constant 128 : i32
        %dma_wait3A_143 = tpu.memref_slice %arg23[%dma_wait3A_142] : memref<1600xi32, #tpu.memory_space<vmem>> -> memref<128xi32, #tpu.memory_space<vmem>>
        %dma_wait3A_144 = arith.constant 0 : i32
        %dma_wait3A_145 = arith.constant 0 : i32
        %dma_wait3A_146 = tpu.memref_slice %arg10[%dma_wait3A_144, %dma_wait3A_145] : memref<32768x16xf32, #tpu.memory_space<hbm>> -> memref<32768x16xf32, #tpu.memory_space<hbm>>
        tpu.wait_indirect_dma semaphore(%arg29 : memref<!tpu.dma_semaphore, #tpu.memory_space<semaphore_mem>>) src(%dma_wait3A_146 : memref<32768x16xf32, #tpu.memory_space<hbm>>) dst(%dma_wait3A_141 : memref<128x16xf32, #tpu.memory_space<vmem>>)
        %dma_wait3A_147 = arith.constant 256 : i32
        %dma_wait3A_148 = arith.constant 0 : i32
        %dma_wait3A_149 = tpu.memref_slice %arg24[%dma_wait3A_147, %dma_wait3A_148] : memref<1600x16xf32, #tpu.memory_space<vmem>> -> memref<128x16xf32, #tpu.memory_space<vmem>>
        %dma_wait3A_150 = arith.constant 256 : i32
        %dma_wait3A_151 = tpu.memref_slice %arg23[%dma_wait3A_150] : memref<1600xi32, #tpu.memory_space<vmem>> -> memref<128xi32, #tpu.memory_space<vmem>>
        %dma_wait3A_152 = arith.constant 0 : i32
        %dma_wait3A_153 = arith.constant 0 : i32
        %dma_wait3A_154 = tpu.memref_slice %arg10[%dma_wait3A_152, %dma_wait3A_153] : memref<32768x16xf32, #tpu.memory_space<hbm>> -> memref<32768x16xf32, #tpu.memory_space<hbm>>
        tpu.wait_indirect_dma semaphore(%arg29 : memref<!tpu.dma_semaphore, #tpu.memory_space<semaphore_mem>>) src(%dma_wait3A_154 : memref<32768x16xf32, #tpu.memory_space<hbm>>) dst(%dma_wait3A_149 : memref<128x16xf32, #tpu.memory_space<vmem>>)
        %dma_wait3A_155 = arith.constant 384 : i32
        %dma_wait3A_156 = arith.constant 0 : i32
        %dma_wait3A_157 = tpu.memref_slice %arg24[%dma_wait3A_155, %dma_wait3A_156] : memref<1600x16xf32, #tpu.memory_space<vmem>> -> memref<128x16xf32, #tpu.memory_space<vmem>>
        %dma_wait3A_158 = arith.constant 384 : i32
        %dma_wait3A_159 = tpu.memref_slice %arg23[%dma_wait3A_158] : memref<1600xi32, #tpu.memory_space<vmem>> -> memref<128xi32, #tpu.memory_space<vmem>>
        %dma_wait3A_160 = arith.constant 0 : i32
        %dma_wait3A_161 = arith.constant 0 : i32
        %dma_wait3A_162 = tpu.memref_slice %arg10[%dma_wait3A_160, %dma_wait3A_161] : memref<32768x16xf32, #tpu.memory_space<hbm>> -> memref<32768x16xf32, #tpu.memory_space<hbm>>
        tpu.wait_indirect_dma semaphore(%arg29 : memref<!tpu.dma_semaphore, #tpu.memory_space<semaphore_mem>>) src(%dma_wait3A_162 : memref<32768x16xf32, #tpu.memory_space<hbm>>) dst(%dma_wait3A_157 : memref<128x16xf32, #tpu.memory_space<vmem>>)
        %dma_wait3A_163 = arith.constant 512 : i32
        %dma_wait3A_164 = arith.constant 0 : i32
        %dma_wait3A_165 = tpu.memref_slice %arg24[%dma_wait3A_163, %dma_wait3A_164] : memref<1600x16xf32, #tpu.memory_space<vmem>> -> memref<128x16xf32, #tpu.memory_space<vmem>>
        %dma_wait3A_166 = arith.constant 512 : i32
        %dma_wait3A_167 = tpu.memref_slice %arg23[%dma_wait3A_166] : memref<1600xi32, #tpu.memory_space<vmem>> -> memref<128xi32, #tpu.memory_space<vmem>>
        %dma_wait3A_168 = arith.constant 0 : i32
        %dma_wait3A_169 = arith.constant 0 : i32
        %dma_wait3A_170 = tpu.memref_slice %arg10[%dma_wait3A_168, %dma_wait3A_169] : memref<32768x16xf32, #tpu.memory_space<hbm>> -> memref<32768x16xf32, #tpu.memory_space<hbm>>
        tpu.wait_indirect_dma semaphore(%arg29 : memref<!tpu.dma_semaphore, #tpu.memory_space<semaphore_mem>>) src(%dma_wait3A_170 : memref<32768x16xf32, #tpu.memory_space<hbm>>) dst(%dma_wait3A_165 : memref<128x16xf32, #tpu.memory_space<vmem>>)
        %dma_wait3A_171 = arith.constant 640 : i32
        %dma_wait3A_172 = arith.constant 0 : i32
        %dma_wait3A_173 = tpu.memref_slice %arg24[%dma_wait3A_171, %dma_wait3A_172] : memref<1600x16xf32, #tpu.memory_space<vmem>> -> memref<128x16xf32, #tpu.memory_space<vmem>>
        %dma_wait3A_174 = arith.constant 640 : i32
        %dma_wait3A_175 = tpu.memref_slice %arg23[%dma_wait3A_174] : memref<1600xi32, #tpu.memory_space<vmem>> -> memref<128xi32, #tpu.memory_space<vmem>>
        %dma_wait3A_176 = arith.constant 0 : i32
        %dma_wait3A_177 = arith.constant 0 : i32
        %dma_wait3A_178 = tpu.memref_slice %arg10[%dma_wait3A_176, %dma_wait3A_177] : memref<32768x16xf32, #tpu.memory_space<hbm>> -> memref<32768x16xf32, #tpu.memory_space<hbm>>
        tpu.wait_indirect_dma semaphore(%arg29 : memref<!tpu.dma_semaphore, #tpu.memory_space<semaphore_mem>>) src(%dma_wait3A_178 : memref<32768x16xf32, #tpu.memory_space<hbm>>) dst(%dma_wait3A_173 : memref<128x16xf32, #tpu.memory_space<vmem>>)
        %dma_wait3A_179 = arith.constant 768 : i32
        %dma_wait3A_180 = arith.constant 0 : i32
        %dma_wait3A_181 = tpu.memref_slice %arg24[%dma_wait3A_179, %dma_wait3A_180] : memref<1600x16xf32, #tpu.memory_space<vmem>> -> memref<128x16xf32, #tpu.memory_space<vmem>>
        %dma_wait3A_182 = arith.constant 768 : i32
        %dma_wait3A_183 = tpu.memref_slice %arg23[%dma_wait3A_182] : memref<1600xi32, #tpu.memory_space<vmem>> -> memref<128xi32, #tpu.memory_space<vmem>>
        %dma_wait3A_184 = arith.constant 0 : i32
        %dma_wait3A_185 = arith.constant 0 : i32
        %dma_wait3A_186 = tpu.memref_slice %arg10[%dma_wait3A_184, %dma_wait3A_185] : memref<32768x16xf32, #tpu.memory_space<hbm>> -> memref<32768x16xf32, #tpu.memory_space<hbm>>
        tpu.wait_indirect_dma semaphore(%arg29 : memref<!tpu.dma_semaphore, #tpu.memory_space<semaphore_mem>>) src(%dma_wait3A_186 : memref<32768x16xf32, #tpu.memory_space<hbm>>) dst(%dma_wait3A_181 : memref<128x16xf32, #tpu.memory_space<vmem>>)
        %dma_wait3A_187 = arith.constant 896 : i32
        %dma_wait3A_188 = arith.constant 0 : i32
        %dma_wait3A_189 = tpu.memref_slice %arg24[%dma_wait3A_187, %dma_wait3A_188] : memref<1600x16xf32, #tpu.memory_space<vmem>> -> memref<128x16xf32, #tpu.memory_space<vmem>>
        %dma_wait3A_190 = arith.constant 896 : i32
        %dma_wait3A_191 = tpu.memref_slice %arg23[%dma_wait3A_190] : memref<1600xi32, #tpu.memory_space<vmem>> -> memref<128xi32, #tpu.memory_space<vmem>>
        %dma_wait3A_192 = arith.constant 0 : i32
        %dma_wait3A_193 = arith.constant 0 : i32
        %dma_wait3A_194 = tpu.memref_slice %arg10[%dma_wait3A_192, %dma_wait3A_193] : memref<32768x16xf32, #tpu.memory_space<hbm>> -> memref<32768x16xf32, #tpu.memory_space<hbm>>
        tpu.wait_indirect_dma semaphore(%arg29 : memref<!tpu.dma_semaphore, #tpu.memory_space<semaphore_mem>>) src(%dma_wait3A_194 : memref<32768x16xf32, #tpu.memory_space<hbm>>) dst(%dma_wait3A_189 : memref<128x16xf32, #tpu.memory_space<vmem>>)
        %dma_wait3A_195 = arith.constant 1024 : i32
        %dma_wait3A_196 = arith.constant 0 : i32
        %dma_wait3A_197 = tpu.memref_slice %arg24[%dma_wait3A_195, %dma_wait3A_196] : memref<1600x16xf32, #tpu.memory_space<vmem>> -> memref<128x16xf32, #tpu.memory_space<vmem>>
        %dma_wait3A_198 = arith.constant 1024 : i32
        %dma_wait3A_199 = tpu.memref_slice %arg23[%dma_wait3A_198] : memref<1600xi32, #tpu.memory_space<vmem>> -> memref<128xi32, #tpu.memory_space<vmem>>
        %dma_wait3A_200 = arith.constant 0 : i32
        %dma_wait3A_201 = arith.constant 0 : i32
        %dma_wait3A_202 = tpu.memref_slice %arg10[%dma_wait3A_200, %dma_wait3A_201] : memref<32768x16xf32, #tpu.memory_space<hbm>> -> memref<32768x16xf32, #tpu.memory_space<hbm>>
        tpu.wait_indirect_dma semaphore(%arg29 : memref<!tpu.dma_semaphore, #tpu.memory_space<semaphore_mem>>) src(%dma_wait3A_202 : memref<32768x16xf32, #tpu.memory_space<hbm>>) dst(%dma_wait3A_197 : memref<128x16xf32, #tpu.memory_space<vmem>>)
        %dma_wait3A_203 = arith.constant 1152 : i32
        %dma_wait3A_204 = arith.constant 0 : i32
        %dma_wait3A_205 = tpu.memref_slice %arg24[%dma_wait3A_203, %dma_wait3A_204] : memref<1600x16xf32, #tpu.memory_space<vmem>> -> memref<128x16xf32, #tpu.memory_space<vmem>>
        %dma_wait3A_206 = arith.constant 1152 : i32
        %dma_wait3A_207 = tpu.memref_slice %arg23[%dma_wait3A_206] : memref<1600xi32, #tpu.memory_space<vmem>> -> memref<128xi32, #tpu.memory_space<vmem>>
        %dma_wait3A_208 = arith.constant 0 : i32
        %dma_wait3A_209 = arith.constant 0 : i32
        %dma_wait3A_210 = tpu.memref_slice %arg10[%dma_wait3A_208, %dma_wait3A_209] : memref<32768x16xf32, #tpu.memory_space<hbm>> -> memref<32768x16xf32, #tpu.memory_space<hbm>>
        tpu.wait_indirect_dma semaphore(%arg29 : memref<!tpu.dma_semaphore, #tpu.memory_space<semaphore_mem>>) src(%dma_wait3A_210 : memref<32768x16xf32, #tpu.memory_space<hbm>>) dst(%dma_wait3A_205 : memref<128x16xf32, #tpu.memory_space<vmem>>)
        %dma_wait3A_211 = arith.constant 1280 : i32
        %dma_wait3A_212 = arith.constant 0 : i32
        %dma_wait3A_213 = tpu.memref_slice %arg24[%dma_wait3A_211, %dma_wait3A_212] : memref<1600x16xf32, #tpu.memory_space<vmem>> -> memref<128x16xf32, #tpu.memory_space<vmem>>
        %dma_wait3A_214 = arith.constant 1280 : i32
        %dma_wait3A_215 = tpu.memref_slice %arg23[%dma_wait3A_214] : memref<1600xi32, #tpu.memory_space<vmem>> -> memref<128xi32, #tpu.memory_space<vmem>>
        %dma_wait3A_216 = arith.constant 0 : i32
        %dma_wait3A_217 = arith.constant 0 : i32
        %dma_wait3A_218 = tpu.memref_slice %arg10[%dma_wait3A_216, %dma_wait3A_217] : memref<32768x16xf32, #tpu.memory_space<hbm>> -> memref<32768x16xf32, #tpu.memory_space<hbm>>
        tpu.wait_indirect_dma semaphore(%arg29 : memref<!tpu.dma_semaphore, #tpu.memory_space<semaphore_mem>>) src(%dma_wait3A_218 : memref<32768x16xf32, #tpu.memory_space<hbm>>) dst(%dma_wait3A_213 : memref<128x16xf32, #tpu.memory_space<vmem>>)
        %dma_wait3A_219 = arith.constant 1408 : i32
        %dma_wait3A_220 = arith.constant 0 : i32
        %dma_wait3A_221 = tpu.memref_slice %arg24[%dma_wait3A_219, %dma_wait3A_220] : memref<1600x16xf32, #tpu.memory_space<vmem>> -> memref<128x16xf32, #tpu.memory_space<vmem>>
        %dma_wait3A_222 = arith.constant 1408 : i32
        %dma_wait3A_223 = tpu.memref_slice %arg23[%dma_wait3A_222] : memref<1600xi32, #tpu.memory_space<vmem>> -> memref<128xi32, #tpu.memory_space<vmem>>
        %dma_wait3A_224 = arith.constant 0 : i32
        %dma_wait3A_225 = arith.constant 0 : i32
        %dma_wait3A_226 = tpu.memref_slice %arg10[%dma_wait3A_224, %dma_wait3A_225] : memref<32768x16xf32, #tpu.memory_space<hbm>> -> memref<32768x16xf32, #tpu.memory_space<hbm>>
        tpu.wait_indirect_dma semaphore(%arg29 : memref<!tpu.dma_semaphore, #tpu.memory_space<semaphore_mem>>) src(%dma_wait3A_226 : memref<32768x16xf32, #tpu.memory_space<hbm>>) dst(%dma_wait3A_221 : memref<128x16xf32, #tpu.memory_space<vmem>>)
        %dma_wait3A_227 = arith.constant 1536 : i32
        %dma_wait3A_228 = arith.constant 0 : i32
        %dma_wait3A_229 = tpu.memref_slice %arg24[%dma_wait3A_227, %dma_wait3A_228] : memref<1600x16xf32, #tpu.memory_space<vmem>> -> memref<64x16xf32, #tpu.memory_space<vmem>>
        %dma_wait3A_230 = arith.constant 1536 : i32
        %dma_wait3A_231 = tpu.memref_slice %arg23[%dma_wait3A_230] : memref<1600xi32, #tpu.memory_space<vmem>> -> memref<64xi32, #tpu.memory_space<vmem>>
        %dma_wait3A_232 = arith.constant 0 : i32
        %dma_wait3A_233 = arith.constant 0 : i32
        %dma_wait3A_234 = tpu.memref_slice %arg10[%dma_wait3A_232, %dma_wait3A_233] : memref<32768x16xf32, #tpu.memory_space<hbm>> -> memref<32768x16xf32, #tpu.memory_space<hbm>>
        tpu.wait_indirect_dma semaphore(%arg29 : memref<!tpu.dma_semaphore, #tpu.memory_space<semaphore_mem>>) src(%dma_wait3A_234 : memref<32768x16xf32, #tpu.memory_space<hbm>>) dst(%dma_wait3A_229 : memref<64x16xf32, #tpu.memory_space<vmem>>)
        %scan3A_235 = arith.constant 0 : i32
        %scan3A_236 = arith.constant 100 : i32
        %scan3A_237 = arith.addi %scan3A_235, %scan3A_236 : i32
        %scan3A_238 = arith.constant 1 : i32
        scf.for %scan3A_240 = %scan3A_235 to %scan3A_237 step %scan3A_238  : i32 {
          %mul3A_241 = arith.constant 16 : i32
          %mul3A_242 = arith.muli %scan3A_240, %mul3A_241 : i32
          %get3A_243 = arith.index_cast %mul3A_242 : i32 to index
          %get3A_244 = tpu.vector_load %arg15[%get3A_243] {strides = array<i32>} : memref<1600xf32, #tpu.memory_space<vmem>>, vector<16xf32>,
          %get3A_245 = arith.index_cast %mul3A_242 : i32 to index
          %get3A_246 = tpu.vector_load %arg16[%get3A_245] {strides = array<i32>} : memref<1600xf32, #tpu.memory_space<vmem>>, vector<16xf32>,
          %get3A_247 = arith.index_cast %mul3A_242 : i32 to index
          %get3A_248 = tpu.vector_load %arg17[%get3A_247] {strides = array<i32>} : memref<1600xf32, #tpu.memory_space<vmem>>, vector<16xf32>,
          %get3A_249 = arith.index_cast %mul3A_242 : i32 to index
          %get3A_250 = tpu.vector_load %arg18[%get3A_249] {strides = array<i32>} : memref<1600xf32, #tpu.memory_space<vmem>>, vector<16xf32>,
          %get3A_251 = arith.index_cast %mul3A_242 : i32 to index
          %get3A_252 = tpu.vector_load %arg19[%get3A_251] {strides = array<i32>} : memref<1600xf32, #tpu.memory_space<vmem>>, vector<16xf32>,
          %get3A_253 = arith.index_cast %mul3A_242 : i32 to index
          %get3A_254 = tpu.vector_load %arg20[%get3A_253] {strides = array<i32>} : memref<1600xi32, #tpu.memory_space<vmem>>, vector<16xi32>,
          %mul3A_255 = arith.mulf %get3A_248, %get3A_6 : vector<16xf32>
          %mul3A_256 = arith.mulf %get3A_250, %get3A_6 : vector<16xf32>
          %mul3A_257 = arith.constant 64 : i32
          %mul3A_258 = arith.muli %scan3A_240, %mul3A_257 : i32
          %mul3A_259 = arith.constant 4 : i32
          %mul3A_260 = vector.broadcast %mul3A_259 : i32 to vector<16xi32>
          %mul3A_261 = arith.muli %iota3A, %mul3A_260 : vector<16xi32>
          %add3A_262 = vector.broadcast %mul3A_258 : i32 to vector<16xi32>
          %add3A_263 = arith.addi %add3A_262, %mul3A_261 : vector<16xi32>
          %add3A_264 = arith.constant 0 : i32
          %add3A_265 = vector.broadcast %add3A_264 : i32 to vector<16xi32>
          %add3A_266 = arith.addi %add3A_263, %add3A_265 : vector<16xi32>
          %gather3A = tpu.vector_load_idx %arg22[%add3A_266] : memref<6400xf32, #tpu.memory_space<vmem>>[vector<16xi32>], vector<16xf32>,
          %mul3A_267 = arith.constant 16 : i32
          %mul3A_268 = arith.muli %scan3A_240, %mul3A_267 : i32
          %add3A_269 = vector.broadcast %mul3A_268 : i32 to vector<16xi32>
          %add3A_270 = arith.addi %add3A_269, %iota3A : vector<16xi32>
          %broadcast_in_dim3A_271 = arith.constant 0 : i32
          %broadcast_in_dim3A_272 = vector.broadcast %broadcast_in_dim3A_271 : i32 to vector<16xi32>
          %gather3A_273 = tpu.vector_load_idx %arg24[%add3A_270, %broadcast_in_dim3A_272] : memref<1600x16xf32, #tpu.memory_space<vmem>>[vector<16xi32>, vector<16xi32>], vector<16xf32>,
          %mul3A_274 = arith.mulf %get3A_246, %gather3A : vector<16xf32>
          %add3A_275 = arith.addf %get3A_244, %mul3A_274 : vector<16xf32>
          %exp3A = math.exp %add3A_275 : vector<16xf32>
          %mul3A_276 = arith.mulf %gather3A_273, %gather3A_273 : vector<16xf32>
          %mul3A_277 = arith.mulf %mul3A_276, %exp3A : vector<16xf32>
          %add3A_278 = arith.addf %broadcast_in_dim3A_1, %mul3A_277 : vector<16xf32>
          %sub3A = arith.subf %mul3A_277, %mul3A_255 : vector<16xf32>
          %mul3A_279 = arith.mulf %sub3A, %sub3A : vector<16xf32>
          %add3A_280 = arith.addf %broadcast_in_dim3A_1, %mul3A_279 : vector<16xf32>
          %mul3A_281 = arith.constant 64 : i32
          %mul3A_282 = arith.muli %scan3A_240, %mul3A_281 : i32
          %mul3A_283 = arith.constant 4 : i32
          %mul3A_284 = vector.broadcast %mul3A_283 : i32 to vector<16xi32>
          %mul3A_285 = arith.muli %iota3A, %mul3A_284 : vector<16xi32>
          %add3A_286 = vector.broadcast %mul3A_282 : i32 to vector<16xi32>
          %add3A_287 = arith.addi %add3A_286, %mul3A_285 : vector<16xi32>
          %add3A_288 = arith.constant 1 : i32
          %add3A_289 = vector.broadcast %add3A_288 : i32 to vector<16xi32>
          %add3A_290 = arith.addi %add3A_287, %add3A_289 : vector<16xi32>
          %gather3A_291 = tpu.vector_load_idx %arg22[%add3A_290] : memref<6400xf32, #tpu.memory_space<vmem>>[vector<16xi32>], vector<16xf32>,
          %mul3A_292 = arith.constant 16 : i32
          %mul3A_293 = arith.muli %scan3A_240, %mul3A_292 : i32
          %add3A_294 = vector.broadcast %mul3A_293 : i32 to vector<16xi32>
          %add3A_295 = arith.addi %add3A_294, %iota3A : vector<16xi32>
          %broadcast_in_dim3A_296 = arith.constant 1 : i32
          %broadcast_in_dim3A_297 = vector.broadcast %broadcast_in_dim3A_296 : i32 to vector<16xi32>
          %gather3A_298 = tpu.vector_load_idx %arg24[%add3A_295, %broadcast_in_dim3A_297] : memref<1600x16xf32, #tpu.memory_space<vmem>>[vector<16xi32>, vector<16xi32>], vector<16xf32>,
          %mul3A_299 = arith.mulf %get3A_246, %gather3A_291 : vector<16xf32>
          %add3A_300 = arith.addf %get3A_244, %mul3A_299 : vector<16xf32>
          %exp3A_301 = math.exp %add3A_300 : vector<16xf32>
          %mul3A_302 = arith.mulf %gather3A_298, %gather3A_298 : vector<16xf32>
          %mul3A_303 = arith.mulf %mul3A_302, %exp3A_301 : vector<16xf32>
          %add3A_304 = arith.addf %add3A_278, %mul3A_303 : vector<16xf32>
          %sub3A_305 = arith.subf %mul3A_303, %mul3A_255 : vector<16xf32>
          %mul3A_306 = arith.mulf %sub3A_305, %sub3A_305 : vector<16xf32>
          %add3A_307 = arith.addf %add3A_280, %mul3A_306 : vector<16xf32>
          %mul3A_308 = arith.constant 64 : i32
          %mul3A_309 = arith.muli %scan3A_240, %mul3A_308 : i32
          %mul3A_310 = arith.constant 4 : i32
          %mul3A_311 = vector.broadcast %mul3A_310 : i32 to vector<16xi32>
          %mul3A_312 = arith.muli %iota3A, %mul3A_311 : vector<16xi32>
          %add3A_313 = vector.broadcast %mul3A_309 : i32 to vector<16xi32>
          %add3A_314 = arith.addi %add3A_313, %mul3A_312 : vector<16xi32>
          %add3A_315 = arith.constant 2 : i32
          %add3A_316 = vector.broadcast %add3A_315 : i32 to vector<16xi32>
          %add3A_317 = arith.addi %add3A_314, %add3A_316 : vector<16xi32>
          %gather3A_318 = tpu.vector_load_idx %arg22[%add3A_317] : memref<6400xf32, #tpu.memory_space<vmem>>[vector<16xi32>], vector<16xf32>,
          %mul3A_319 = arith.constant 16 : i32
          %mul3A_320 = arith.muli %scan3A_240, %mul3A_319 : i32
          %add3A_321 = vector.broadcast %mul3A_320 : i32 to vector<16xi32>
          %add3A_322 = arith.addi %add3A_321, %iota3A : vector<16xi32>
          %broadcast_in_dim3A_323 = arith.constant 2 : i32
          %broadcast_in_dim3A_324 = vector.broadcast %broadcast_in_dim3A_323 : i32 to vector<16xi32>
          %gather3A_325 = tpu.vector_load_idx %arg24[%add3A_322, %broadcast_in_dim3A_324] : memref<1600x16xf32, #tpu.memory_space<vmem>>[vector<16xi32>, vector<16xi32>], vector<16xf32>,
          %mul3A_326 = arith.mulf %get3A_246, %gather3A_318 : vector<16xf32>
          %add3A_327 = arith.addf %get3A_244, %mul3A_326 : vector<16xf32>
          %exp3A_328 = math.exp %add3A_327 : vector<16xf32>
          %mul3A_329 = arith.mulf %gather3A_325, %gather3A_325 : vector<16xf32>
          %mul3A_330 = arith.mulf %mul3A_329, %exp3A_328 : vector<16xf32>
          %add3A_331 = arith.addf %add3A_304, %mul3A_330 : vector<16xf32>
          %sub3A_332 = arith.subf %mul3A_330, %mul3A_255 : vector<16xf32>
          %mul3A_333 = arith.mulf %sub3A_332, %sub3A_332 : vector<16xf32>
          %add3A_334 = arith.addf %add3A_307, %mul3A_333 : vector<16xf32>
          %mul3A_335 = arith.constant 64 : i32
          %mul3A_336 = arith.muli %scan3A_240, %mul3A_335 : i32
          %mul3A_337 = arith.constant 4 : i32
          %mul3A_338 = vector.broadcast %mul3A_337 : i32 to vector<16xi32>
          %mul3A_339 = arith.muli %iota3A, %mul3A_338 : vector<16xi32>
          %add3A_340 = vector.broadcast %mul3A_336 : i32 to vector<16xi32>
          %add3A_341 = arith.addi %add3A_340, %mul3A_339 : vector<16xi32>
          %add3A_342 = arith.constant 3 : i32
          %add3A_343 = vector.broadcast %add3A_342 : i32 to vector<16xi32>
          %add3A_344 = arith.addi %add3A_341, %add3A_343 : vector<16xi32>
          %gather3A_345 = tpu.vector_load_idx %arg22[%add3A_344] : memref<6400xf32, #tpu.memory_space<vmem>>[vector<16xi32>], vector<16xf32>,
          %mul3A_346 = arith.constant 16 : i32
          %mul3A_347 = arith.muli %scan3A_240, %mul3A_346 : i32
          %add3A_348 = vector.broadcast %mul3A_347 : i32 to vector<16xi32>
          %add3A_349 = arith.addi %add3A_348, %iota3A : vector<16xi32>
          %broadcast_in_dim3A_350 = arith.constant 3 : i32
          %broadcast_in_dim3A_351 = vector.broadcast %broadcast_in_dim3A_350 : i32 to vector<16xi32>
          %gather3A_352 = tpu.vector_load_idx %arg24[%add3A_349, %broadcast_in_dim3A_351] : memref<1600x16xf32, #tpu.memory_space<vmem>>[vector<16xi32>, vector<16xi32>], vector<16xf32>,
          %mul3A_353 = arith.mulf %get3A_246, %gather3A_345 : vector<16xf32>
          %add3A_354 = arith.addf %get3A_244, %mul3A_353 : vector<16xf32>
          %exp3A_355 = math.exp %add3A_354 : vector<16xf32>
          %mul3A_356 = arith.mulf %gather3A_352, %gather3A_352 : vector<16xf32>
          %mul3A_357 = arith.mulf %mul3A_356, %exp3A_355 : vector<16xf32>
          %add3A_358 = arith.addf %add3A_331, %mul3A_357 : vector<16xf32>
          %sub3A_359 = arith.subf %mul3A_357, %mul3A_255 : vector<16xf32>
          %mul3A_360 = arith.mulf %sub3A_359, %sub3A_359 : vector<16xf32>
          %add3A_361 = arith.addf %add3A_334, %mul3A_360 : vector<16xf32>
          %mul3A_362 = arith.constant 2.500000e-01 : f32
          %mul3A_363 = vector.broadcast %mul3A_362 : f32 to vector<16xf32>
          %mul3A_364 = arith.mulf %add3A_358, %mul3A_363 : vector<16xf32>
          %swap3A = arith.index_cast %mul3A_242 : i32 to index
          %swap3A_365 = tpu.vector_load %arg25[%swap3A] {strides = array<i32>} : memref<1600xf32, #tpu.memory_space<vmem>>, vector<16xf32>,
          tpu.vector_store %arg25[%swap3A], %mul3A_364 {strides = array<i32>} : memref<1600xf32, #tpu.memory_space<vmem>>, vector<16xf32>,
          %mul3A_366 = arith.constant -5.000000e-01 : f32
          %mul3A_367 = vector.broadcast %mul3A_366 : f32 to vector<16xf32>
          %mul3A_368 = arith.mulf %mul3A_367, %add3A_361 : vector<16xf32>
          %mul3A_369 = arith.mulf %mul3A_256, %mul3A_256 : vector<16xf32>
          %div3A = arith.divf %mul3A_368, %mul3A_369 : vector<16xf32>
          %add3A_370 = arith.addf %div3A, %get3A_252 : vector<16xf32>
          %broadcast_in_dim3A_371 = arith.constant true
          %broadcast_in_dim3A_372 = vector.broadcast %broadcast_in_dim3A_371 : i1 to vector<16xi1>
          %masked_cumsum3A = tpu.scan <sum>, %add3A_370 masked %broadcast_in_dim3A_372 : vector<16xf32>, vector<16xi1> -> vector<16xf32>
          %add3A_373 = arith.constant 1 : i32
          %add3A_374 = vector.broadcast %add3A_373 : i32 to vector<16xi32>
          %add3A_375 = arith.addi %iota3A, %add3A_374 : vector<16xi32>
          %min3A = arith.constant 15 : i32
          %min3A_376 = vector.broadcast %min3A : i32 to vector<16xi32>
          %min3A_377 = arith.minsi %add3A_375, %min3A_376 : vector<16xi32>
          %broadcast_in_dim3A_378 = vector.shape_cast %min3A_377 : vector<16xi32> to vector<16x1xi32>
          %gather3A_379 = vector.shape_cast %broadcast_in_dim3A_378 : vector<16x1xi32> to vector<16xi32>
          %gather3A_380 = tpu.dynamic_gather %get3A_254[%gather3A_379] in [0] : vector<16xi32>, vector<16xi32> -> vector<16xi32>
          %sub3A_381 = arith.constant 1 : i32
          %sub3A_382 = vector.broadcast %sub3A_381 : i32 to vector<16xi32>
          %sub3A_383 = arith.subi %iota3A, %sub3A_382 : vector<16xi32>
          %max3A = arith.constant 0 : i32
          %max3A_384 = vector.broadcast %max3A : i32 to vector<16xi32>
          %max3A_385 = arith.maxsi %sub3A_383, %max3A_384 : vector<16xi32>
          %broadcast_in_dim3A_386 = vector.shape_cast %max3A_385 : vector<16xi32> to vector<16x1xi32>
          %gather3A_387 = vector.shape_cast %broadcast_in_dim3A_386 : vector<16x1xi32> to vector<16xi32>
          %gather3A_388 = tpu.dynamic_gather %get3A_254[%gather3A_387] in [0] : vector<16xi32>, vector<16xi32> -> vector<16xi32>
          %sub3A_389 = arith.constant 1 : i32
          %sub3A_390 = vector.broadcast %sub3A_389 : i32 to vector<16xi32>
          %sub3A_391 = arith.subi %iota3A, %sub3A_390 : vector<16xi32>
          %max3A_392 = arith.constant 0 : i32
          %max3A_393 = vector.broadcast %max3A_392 : i32 to vector<16xi32>
          %max3A_394 = arith.maxsi %sub3A_391, %max3A_393 : vector<16xi32>
          %broadcast_in_dim3A_395 = vector.shape_cast %max3A_394 : vector<16xi32> to vector<16x1xi32>
          %gather3A_396 = vector.shape_cast %broadcast_in_dim3A_395 : vector<16x1xi32> to vector<16xi32>
          %gather3A_397 = tpu.dynamic_gather %masked_cumsum3A[%gather3A_396] in [0] : vector<16xf32>, vector<16xi32> -> vector<16xf32>
          %ne3A = arith.cmpi ne, %get3A_254, %gather3A_380 : vector<16xi32>
          %eq3A = arith.constant 15 : i32
          %eq3A_398 = vector.broadcast %eq3A : i32 to vector<16xi32>
          %eq3A_399 = arith.cmpi eq, %iota3A, %eq3A_398 : vector<16xi32>
          %or3A = arith.ori %ne3A, %eq3A_399 : vector<16xi1>
          %ne3A_400 = arith.cmpi ne, %get3A_254, %gather3A_388 : vector<16xi32>
          %gt3A = arith.constant 0 : i32
          %gt3A_401 = vector.broadcast %gt3A : i32 to vector<16xi32>
          %gt3A_402 = arith.cmpi sgt, %iota3A, %gt3A_401 : vector<16xi32>
          %and3A = arith.andi %ne3A_400, %gt3A_402 : vector<16xi1>
          %add3A_403 = arith.constant 1 : i32
          %add3A_404 = vector.broadcast %add3A_403 : i32 to vector<16xi32>
          %add3A_405 = arith.addi %iota3A, %add3A_404 : vector<16xi32>
          %convert_element_type3A_406 = arith.sitofp %add3A_405 : vector<16xi32> to vector<16xf32>
          tpu.vector_store_idx %arg26[%get3A_254], %masked_cumsum3A masked %or3A {add = true} : memref<10000xf32, #tpu.memory_space<vmem>>[vector<16xi32>], vector<16xf32>, vector<16xi1>
          %neg3A = arith.constant 0.000000e+00 : f32
          %neg3A_407 = vector.broadcast %neg3A : f32 to vector<16xf32>
          %neg3A_408 = arith.subf %neg3A_407, %gather3A_397 : vector<16xf32>
          tpu.vector_store_idx %arg26[%get3A_254], %neg3A_408 masked %and3A {add = true} : memref<10000xf32, #tpu.memory_space<vmem>>[vector<16xi32>], vector<16xf32>, vector<16xi1>
          tpu.vector_store_idx %arg27[%get3A_254], %convert_element_type3A_406 masked %or3A {add = true} : memref<10000xf32, #tpu.memory_space<vmem>>[vector<16xi32>], vector<16xf32>, vector<16xi1>
          %sub3A_409 = arith.constant 1.000000e+00 : f32
          %sub3A_410 = vector.broadcast %sub3A_409 : f32 to vector<16xf32>
          %sub3A_411 = arith.subf %convert_element_type3A_406, %sub3A_410 : vector<16xf32>
          %neg3A_412 = arith.constant 0.000000e+00 : f32
          %neg3A_413 = vector.broadcast %neg3A_412 : f32 to vector<16xf32>
          %neg3A_414 = arith.subf %neg3A_413, %sub3A_411 : vector<16xf32>
          tpu.vector_store_idx %arg27[%get3A_254], %neg3A_414 masked %and3A {add = true} : memref<10000xf32, #tpu.memory_space<vmem>>[vector<16xi32>], vector<16xf32>, vector<16xi1>
        }
        %scan3A_239 = arith.constant 100 : i32
        "tpu.region"() ({
          %run_scoped3A = tpu.sem_alloc : memref<!tpu.dma_semaphore, #tpu.memory_space<semaphore_mem>>
          %dma_start3A_240 = tpu.memref_slice %arg12[%mul3A_19] : memref<1000000xf32, #tpu.memory_space<hbm>> -> memref<1600xf32, #tpu.memory_space<hbm>>
          %dma_start3A_241 = tpu.memref_slice %arg12[%mul3A_19] : memref<1000000xf32, #tpu.memory_space<hbm>> -> memref<1600xf32, #tpu.memory_space<hbm>>
          tpu.enqueue_dma source(%arg25 : memref<1600xf32, #tpu.memory_space<vmem>>) target(%dma_start3A_241 : memref<1600xf32, #tpu.memory_space<hbm>>) target_semaphore(%run_scoped3A : memref<!tpu.dma_semaphore, #tpu.memory_space<semaphore_mem>>)
          %dma_wait3A_242 = tpu.memref_slice %arg12[%mul3A_19] : memref<1000000xf32, #tpu.memory_space<hbm>> -> memref<1600xf32, #tpu.memory_space<hbm>>
          %dma_wait3A_243 = tpu.memref_slice %arg12[%mul3A_19] : memref<1000000xf32, #tpu.memory_space<hbm>> -> memref<1600xf32, #tpu.memory_space<hbm>>
          tpu.wait_dma2 semaphore(%run_scoped3A : memref<!tpu.dma_semaphore, #tpu.memory_space<semaphore_mem>>) src(%arg25 : memref<1600xf32, #tpu.memory_space<vmem>>) dst(%dma_wait3A_243 : memref<1600xf32, #tpu.memory_space<hbm>>)
          tpu.yield
        }) : () -> ()
      } else {
      }
    }
    %scan3A_11 = arith.constant 20 : i32
    "tpu.region"() ({
      %run_scoped3A = tpu.sem_alloc : memref<!tpu.dma_semaphore, #tpu.memory_space<semaphore_mem>>
      %dma_start3A = arith.constant 0 : i32
      %dma_start3A_12 = tpu.memref_slice %arg13[%add3A, %dma_start3A] : memref<32x10000xf32, #tpu.memory_space<hbm>> -> memref<1x10000xf32, #tpu.memory_space<hbm>>
      %dma_start3A_13 = tpu.memref_squeeze %dma_start3A_12 : memref<1x10000xf32, #tpu.memory_space<hbm>> -> memref<10000xf32, #tpu.memory_space<hbm>>
      %dma_start3A_14 = arith.constant 0 : i32
      %dma_start3A_15 = tpu.memref_slice %arg13[%add3A, %dma_start3A_14] : memref<32x10000xf32, #tpu.memory_space<hbm>> -> memref<1x10000xf32, #tpu.memory_space<hbm>>
      %dma_start3A_16 = tpu.memref_squeeze %dma_start3A_15 : memref<1x10000xf32, #tpu.memory_space<hbm>> -> memref<10000xf32, #tpu.memory_space<hbm>>
      tpu.enqueue_dma source(%arg26 : memref<10000xf32, #tpu.memory_space<vmem>>) target(%dma_start3A_16 : memref<10000xf32, #tpu.memory_space<hbm>>) target_semaphore(%run_scoped3A : memref<!tpu.dma_semaphore, #tpu.memory_space<semaphore_mem>>)
      %dma_wait3A = arith.constant 0 : i32
      %dma_wait3A_17 = tpu.memref_slice %arg13[%add3A, %dma_wait3A] : memref<32x10000xf32, #tpu.memory_space<hbm>> -> memref<1x10000xf32, #tpu.memory_space<hbm>>
      %dma_wait3A_18 = tpu.memref_squeeze %dma_wait3A_17 : memref<1x10000xf32, #tpu.memory_space<hbm>> -> memref<10000xf32, #tpu.memory_space<hbm>>
      %dma_wait3A_19 = arith.constant 0 : i32
      %dma_wait3A_20 = tpu.memref_slice %arg13[%add3A, %dma_wait3A_19] : memref<32x10000xf32, #tpu.memory_space<hbm>> -> memref<1x10000xf32, #tpu.memory_space<hbm>>
      %dma_wait3A_21 = tpu.memref_squeeze %dma_wait3A_20 : memref<1x10000xf32, #tpu.memory_space<hbm>> -> memref<10000xf32, #tpu.memory_space<hbm>>
      tpu.wait_dma2 semaphore(%run_scoped3A : memref<!tpu.dma_semaphore, #tpu.memory_space<semaphore_mem>>) src(%arg26 : memref<10000xf32, #tpu.memory_space<vmem>>) dst(%dma_wait3A_21 : memref<10000xf32, #tpu.memory_space<hbm>>)
      tpu.yield
    }) : () -> ()
    "tpu.region"() ({
      %run_scoped3A = tpu.sem_alloc : memref<!tpu.dma_semaphore, #tpu.memory_space<semaphore_mem>>
      %dma_start3A = arith.constant 0 : i32
      %dma_start3A_12 = tpu.memref_slice %arg14[%add3A, %dma_start3A] : memref<32x10000xf32, #tpu.memory_space<hbm>> -> memref<1x10000xf32, #tpu.memory_space<hbm>>
      %dma_start3A_13 = tpu.memref_squeeze %dma_start3A_12 : memref<1x10000xf32, #tpu.memory_space<hbm>> -> memref<10000xf32, #tpu.memory_space<hbm>>
      %dma_start3A_14 = arith.constant 0 : i32
      %dma_start3A_15 = tpu.memref_slice %arg14[%add3A, %dma_start3A_14] : memref<32x10000xf32, #tpu.memory_space<hbm>> -> memref<1x10000xf32, #tpu.memory_space<hbm>>
      %dma_start3A_16 = tpu.memref_squeeze %dma_start3A_15 : memref<1x10000xf32, #tpu.memory_space<hbm>> -> memref<10000xf32, #tpu.memory_space<hbm>>
      tpu.enqueue_dma source(%arg27 : memref<10000xf32, #tpu.memory_space<vmem>>) target(%dma_start3A_16 : memref<10000xf32, #tpu.memory_space<hbm>>) target_semaphore(%run_scoped3A : memref<!tpu.dma_semaphore, #tpu.memory_space<semaphore_mem>>)
      %dma_wait3A = arith.constant 0 : i32
      %dma_wait3A_17 = tpu.memref_slice %arg14[%add3A, %dma_wait3A] : memref<32x10000xf32, #tpu.memory_space<hbm>> -> memref<1x10000xf32, #tpu.memory_space<hbm>>
      %dma_wait3A_18 = tpu.memref_squeeze %dma_wait3A_17 : memref<1x10000xf32, #tpu.memory_space<hbm>> -> memref<10000xf32, #tpu.memory_space<hbm>>
      %dma_wait3A_19 = arith.constant 0 : i32
      %dma_wait3A_20 = tpu.memref_slice %arg14[%add3A, %dma_wait3A_19] : memref<32x10000xf32, #tpu.memory_space<hbm>> -> memref<1x10000xf32, #tpu.memory_space<hbm>>
      %dma_wait3A_21 = tpu.memref_squeeze %dma_wait3A_20 : memref<1x10000xf32, #tpu.memory_space<hbm>> -> memref<10000xf32, #tpu.memory_space<hbm>>
      tpu.wait_dma2 semaphore(%run_scoped3A : memref<!tpu.dma_semaphore, #tpu.memory_space<semaphore_mem>>) src(%arg27 : memref<10000xf32, #tpu.memory_space<vmem>>) dst(%dma_wait3A_21 : memref<10000xf32, #tpu.memory_space<hbm>>)
      tpu.yield
    }) : () -> ()
    return
  }
}

module attributes {stable_mosaic.version = 14 : i64} {
  func.func @_stats(%arg0: i32, %arg1: memref<8000x10xf32, #tpu.memory_space<vmem>>, %arg2: memref<1x1x8000xf32, #tpu.memory_space<vmem>>, %arg3: memref<1x10xf32, #tpu.memory_space<vmem>>, %arg4: memref<1x10xf32, #tpu.memory_space<vmem>>, %arg5: memref<1x1xf32, #tpu.memory_space<vmem>>) attributes {dimension_semantics = [#tpu.dimension_semantics<arbitrary>], iteration_bounds = array<i64: 125>, scalar_prefetch = 0 : i64, scratch_operands = 0 : i64, tpu.core_type = #tpu.core_type<tc>, window_params = [{transform_indices = @transform_0, window_bounds = array<i64: 8000, 10>}, {transform_indices = @transform_1, window_bounds = array<i64: 1, 1, 8000>}, {pipeline_mode = #tpu.pipeline_mode<synchronous>, transform_indices = @transform_2, window_bounds = array<i64: 1, 10>}, {pipeline_mode = #tpu.pipeline_mode<synchronous>, transform_indices = @transform_3, window_bounds = array<i64: 1, 10>}, {pipeline_mode = #tpu.pipeline_mode<synchronous>, transform_indices = @transform_4, window_bounds = array<i64: 1, 1>}]} {
    %eq3A = arith.constant 0 : i32
    %eq3A_0 = arith.cmpi eq, %arg0, %eq3A : i32
    %convert_element_type3A = arith.extui %eq3A_0 : i1 to i32
    %cond3A = arith.constant 0 : i32
    %cond3A_1 = arith.cmpi ne, %convert_element_type3A, %cond3A : i32
    scf.if %cond3A_1 {
      %broadcast_in_dim3A_37 = arith.constant 0.000000e+00 : f32
      %broadcast_in_dim3A_38 = vector.broadcast %broadcast_in_dim3A_37 : f32 to vector<1x10xf32>
      %swap3A_39 = arith.constant 0 : index
      %swap3A_40 = arith.constant 0 : index
      %swap3A_41 = vector.load %arg3[%swap3A_39, %swap3A_40] : memref<1x10xf32, #tpu.memory_space<vmem>>, vector<1x10xf32>
      tpu.vector_store %arg3[%swap3A_39, %swap3A_40], %broadcast_in_dim3A_38 {strides = array<i32>} : memref<1x10xf32, #tpu.memory_space<vmem>>, vector<1x10xf32>,
      %broadcast_in_dim3A_42 = arith.constant 0.000000e+00 : f32
      %broadcast_in_dim3A_43 = vector.broadcast %broadcast_in_dim3A_42 : f32 to vector<1x10xf32>
      %swap3A_44 = arith.constant 0 : index
      %swap3A_45 = arith.constant 0 : index
      %swap3A_46 = vector.load %arg4[%swap3A_44, %swap3A_45] : memref<1x10xf32, #tpu.memory_space<vmem>>, vector<1x10xf32>
      tpu.vector_store %arg4[%swap3A_44, %swap3A_45], %broadcast_in_dim3A_43 {strides = array<i32>} : memref<1x10xf32, #tpu.memory_space<vmem>>, vector<1x10xf32>,
      %broadcast_in_dim3A_47 = arith.constant 0.000000e+00 : f32
      %broadcast_in_dim3A_48 = vector.broadcast %broadcast_in_dim3A_47 : f32 to vector<1x1xf32>
      %swap3A_49 = arith.constant 0 : index
      %swap3A_50 = arith.constant 0 : index
      %swap3A_51 = vector.load %arg5[%swap3A_49, %swap3A_50] : memref<1x1xf32, #tpu.memory_space<vmem>>, vector<1x1xf32>
      tpu.vector_store %arg5[%swap3A_49, %swap3A_50], %broadcast_in_dim3A_48 {strides = array<i32>} : memref<1x1xf32, #tpu.memory_space<vmem>>, vector<1x1xf32>,
    } else {
    }
    %get3A = arith.constant 0 : index
    %get3A_2 = arith.constant 0 : index
    %get3A_3 = vector.load %arg1[%get3A, %get3A_2] : memref<8000x10xf32, #tpu.memory_space<vmem>>, vector<8000x10xf32>
    %get3A_4 = arith.constant 0 : index
    %get3A_5 = arith.constant 0 : index
    %get3A_6 = vector.load %arg3[%get3A_4, %get3A_5] : memref<1x10xf32, #tpu.memory_space<vmem>>, vector<1x10xf32>
    %reduce_sum3A = arith.constant dense<0.000000e+00> : vector<10xf32>
    %reduce_sum3A_7 = vector.multi_reduction <add>, %get3A_3, %reduce_sum3A [0] : vector<8000x10xf32> to vector<10xf32>
    %broadcast_in_dim3A = vector.shape_cast %reduce_sum3A_7 : vector<10xf32> to vector<1x10xf32>
    %add3A = arith.addf %get3A_6, %broadcast_in_dim3A : vector<1x10xf32>
    %swap3A = arith.constant 0 : index
    %swap3A_8 = arith.constant 0 : index
    %swap3A_9 = vector.load %arg3[%swap3A, %swap3A_8] : memref<1x10xf32, #tpu.memory_space<vmem>>, vector<1x10xf32>
    tpu.vector_store %arg3[%swap3A, %swap3A_8], %add3A {strides = array<i32>} : memref<1x10xf32, #tpu.memory_space<vmem>>, vector<1x10xf32>,
    %get3A_10 = arith.constant 0 : index
    %get3A_11 = arith.constant 0 : index
    %get3A_12 = vector.load %arg4[%get3A_10, %get3A_11] : memref<1x10xf32, #tpu.memory_space<vmem>>, vector<1x10xf32>
    %mul3A = arith.mulf %get3A_3, %get3A_3 : vector<8000x10xf32>
    %reduce_sum3A_13 = arith.constant dense<0.000000e+00> : vector<10xf32>
    %reduce_sum3A_14 = vector.multi_reduction <add>, %mul3A, %reduce_sum3A_13 [0] : vector<8000x10xf32> to vector<10xf32>
    %broadcast_in_dim3A_15 = vector.shape_cast %reduce_sum3A_14 : vector<10xf32> to vector<1x10xf32>
    %add3A_16 = arith.addf %get3A_12, %broadcast_in_dim3A_15 : vector<1x10xf32>
    %swap3A_17 = arith.constant 0 : index
    %swap3A_18 = arith.constant 0 : index
    %swap3A_19 = vector.load %arg4[%swap3A_17, %swap3A_18] : memref<1x10xf32, #tpu.memory_space<vmem>>, vector<1x10xf32>
    tpu.vector_store %arg4[%swap3A_17, %swap3A_18], %add3A_16 {strides = array<i32>} : memref<1x10xf32, #tpu.memory_space<vmem>>, vector<1x10xf32>,
    %get3A_20 = arith.constant 0 : index
    %get3A_21 = arith.constant 0 : index
    %get3A_22 = arith.constant 0 : index
    %get3A_23 = vector.load %arg2[%get3A_20, %get3A_21, %get3A_22] : memref<1x1x8000xf32, #tpu.memory_space<vmem>>, vector<1x1x8000xf32>
    %get3A_24 = arith.constant 0 : index
    %get3A_25 = arith.constant 0 : index
    %get3A_26 = vector.load %arg5[%get3A_24, %get3A_25] : memref<1x1xf32, #tpu.memory_space<vmem>>, vector<1x1xf32>
    %mul3A_27 = arith.mulf %get3A_23, %get3A_23 : vector<1x1x8000xf32>
    %reduce_sum3A_28 = vector.shape_cast %mul3A_27 : vector<1x1x8000xf32> to vector<1x1x1x8000xf32>
    %reduce_sum3A_29 = arith.constant dense<0.000000e+00> : vector<1xf32>
    %reduce_sum3A_30 = vector.multi_reduction <add>, %reduce_sum3A_28, %reduce_sum3A_29 [1, 2, 3] : vector<1x1x1x8000xf32> to vector<1xf32>
    %reduce_sum3A_31 = vector.shape_cast %reduce_sum3A_30 : vector<1xf32> to vector<1x1x1x1xf32>
    %reduce_sum3A_32 = vector.extract %reduce_sum3A_31[0, 0, 0, 0] : f32 from vector<1x1x1x1xf32>
    %reshape3A = vector.broadcast %reduce_sum3A_32 : f32 to vector<1x1xf32>
    %add3A_33 = arith.addf %get3A_26, %reshape3A : vector<1x1xf32>
    %swap3A_34 = arith.constant 0 : index
    %swap3A_35 = arith.constant 0 : index
    %swap3A_36 = vector.load %arg5[%swap3A_34, %swap3A_35] : memref<1x1xf32, #tpu.memory_space<vmem>>, vector<1x1xf32>
    tpu.vector_store %arg5[%swap3A_34, %swap3A_35], %add3A_33 {strides = array<i32>} : memref<1x1xf32, #tpu.memory_space<vmem>>, vector<1x1xf32>,
    return
  }
  func.func @transform_0(%arg0: i32) -> (i32, i32) {
    %c0_i32 = arith.constant 0 : i32
    %c0_i32_0 = arith.constant 0 : i32
    return %arg0, %c0_i32 : i32, i32
  }
  func.func @transform_1(%arg0: i32) -> (i32, i32, i32) {
    %c0_i32 = arith.constant 0 : i32
    %c0_i32_0 = arith.constant 0 : i32
    %c0_i32_1 = arith.constant 0 : i32
    return %arg0, %c0_i32, %c0_i32_0 : i32, i32, i32
  }
  func.func @transform_2(%arg0: i32) -> (i32, i32) {
    %c0_i32 = arith.constant 0 : i32
    %c0_i32_0 = arith.constant 0 : i32
    %c0_i32_1 = arith.constant 0 : i32
    return %c0_i32, %c0_i32_0 : i32, i32
  }
  func.func @transform_3(%arg0: i32) -> (i32, i32) {
    %c0_i32 = arith.constant 0 : i32
    %c0_i32_0 = arith.constant 0 : i32
    %c0_i32_1 = arith.constant 0 : i32
    return %c0_i32, %c0_i32_0 : i32, i32
  }
  func.func @transform_4(%arg0: i32) -> (i32, i32) {
    %c0_i32 = arith.constant 0 : i32
    %c0_i32_0 = arith.constant 0 : i32
    %c0_i32_1 = arith.constant 0 : i32
    return %c0_i32, %c0_i32_0 : i32, i32
  }
}

module attributes {stable_mosaic.version = 14 : i64} {
  func.func @_lin(%arg0: i32, %arg1: memref<8000x10xf32, #tpu.memory_space<vmem>>, %arg2: memref<1x1x8000xf32, #tpu.memory_space<vmem>>, %arg3: memref<1x10xf32, #tpu.memory_space<vmem>>, %arg4: memref<1x10xf32, #tpu.memory_space<vmem>>, %arg5: memref<1x4xf32, #tpu.memory_space<vmem>>, %arg6: memref<1x1x8000xf32, #tpu.memory_space<vmem>>, %arg7: memref<1x1x8000xf32, #tpu.memory_space<vmem>>, %arg8: memref<1x1x8000xf32, #tpu.memory_space<vmem>>, %arg9: memref<1x1xf32, #tpu.memory_space<vmem>>) attributes {dimension_semantics = [#tpu.dimension_semantics<arbitrary>], iteration_bounds = array<i64: 125>, scalar_prefetch = 0 : i64, scratch_operands = 0 : i64, tpu.core_type = #tpu.core_type<tc>, window_params = [{transform_indices = @transform_0, window_bounds = array<i64: 8000, 10>}, {transform_indices = @transform_1, window_bounds = array<i64: 1, 1, 8000>}, {pipeline_mode = #tpu.pipeline_mode<synchronous>, transform_indices = @transform_2, window_bounds = array<i64: 1, 10>}, {pipeline_mode = #tpu.pipeline_mode<synchronous>, transform_indices = @transform_3, window_bounds = array<i64: 1, 10>}, {pipeline_mode = #tpu.pipeline_mode<synchronous>, transform_indices = @transform_4, window_bounds = array<i64: 1, 4>}, {transform_indices = @transform_5, window_bounds = array<i64: 1, 1, 8000>}, {transform_indices = @transform_6, window_bounds = array<i64: 1, 1, 8000>}, {transform_indices = @transform_7, window_bounds = array<i64: 1, 1, 8000>}, {pipeline_mode = #tpu.pipeline_mode<synchronous>, transform_indices = @transform_8, window_bounds = array<i64: 1, 1>}]} {
    %eq3A = arith.constant 0 : i32
    %eq3A_0 = arith.cmpi eq, %arg0, %eq3A : i32
    %convert_element_type3A = arith.extui %eq3A_0 : i1 to i32
    %cond3A = arith.constant 0 : i32
    %cond3A_1 = arith.cmpi ne, %convert_element_type3A, %cond3A : i32
    scf.if %cond3A_1 {
      %broadcast_in_dim3A = arith.constant 0.000000e+00 : f32
      %broadcast_in_dim3A_84 = vector.broadcast %broadcast_in_dim3A : f32 to vector<1x1xf32>
      %swap3A_85 = arith.constant 0 : index
      %swap3A_86 = arith.constant 0 : index
      %swap3A_87 = vector.load %arg9[%swap3A_85, %swap3A_86] : memref<1x1xf32, #tpu.memory_space<vmem>>, vector<1x1xf32>
      tpu.vector_store %arg9[%swap3A_85, %swap3A_86], %broadcast_in_dim3A_84 {strides = array<i32>} : memref<1x1xf32, #tpu.memory_space<vmem>>, vector<1x1xf32>,
    } else {
    }
    %get3A = arith.constant 0 : index
    %get3A_2 = arith.constant 0 : index
    %get3A_3 = vector.load %arg1[%get3A, %get3A_2] : memref<8000x10xf32, #tpu.memory_space<vmem>>, vector<8000x10xf32>
    %get3A_4 = arith.constant 0 : index
    %get3A_5 = arith.constant 0 : index
    %get3A_6 = vector.load %arg3[%get3A_4, %get3A_5] : memref<1x10xf32, #tpu.memory_space<vmem>>, vector<1x10xf32>
    %get3A_7 = arith.constant 0 : index
    %get3A_8 = arith.constant 0 : index
    %get3A_9 = vector.load %arg4[%get3A_7, %get3A_8] : memref<1x10xf32, #tpu.memory_space<vmem>>, vector<1x10xf32>
    %get3A_10 = arith.constant 0 : index
    %get3A_11 = arith.constant 0 : index
    %get3A_12 = vector.load %arg5[%get3A_10, %get3A_11] : memref<1x4xf32, #tpu.memory_space<vmem>>, vector<1x4xf32>
    %mul3A = vector.broadcast %get3A_6 : vector<1x10xf32> to vector<8000x10xf32>
    %mul3A_13 = arith.mulf %get3A_3, %mul3A : vector<8000x10xf32>
    %reduce_sum3A = arith.constant dense<0.000000e+00> : vector<8000xf32>
    %reduce_sum3A_14 = vector.multi_reduction <add>, %mul3A_13, %reduce_sum3A [1] : vector<8000x10xf32> to vector<8000xf32>
    %slice3A = vector.extract_strided_slice %get3A_12 {offsets = [0, 0], sizes = [1, 1], strides = [1, 1]} : vector<1x4xf32> to vector<1x1xf32>
    %squeeze3A = vector.extract %slice3A[0, 0] : f32 from vector<1x1xf32>
    %add3A = vector.broadcast %squeeze3A : f32 to vector<8000xf32>
    %add3A_15 = arith.addf %reduce_sum3A_14, %add3A : vector<8000xf32>
    %mul3A_16 = vector.broadcast %get3A_9 : vector<1x10xf32> to vector<8000x10xf32>
    %mul3A_17 = arith.mulf %get3A_3, %mul3A_16 : vector<8000x10xf32>
    %reduce_sum3A_18 = arith.constant dense<0.000000e+00> : vector<8000xf32>
    %reduce_sum3A_19 = vector.multi_reduction <add>, %mul3A_17, %reduce_sum3A_18 [1] : vector<8000x10xf32> to vector<8000xf32>
    %slice3A_20 = vector.extract_strided_slice %get3A_12 {offsets = [0, 1], sizes = [1, 1], strides = [1, 1]} : vector<1x4xf32> to vector<1x1xf32>
    %squeeze3A_21 = vector.extract %slice3A_20[0, 0] : f32 from vector<1x1xf32>
    %add3A_22 = vector.broadcast %squeeze3A_21 : f32 to vector<8000xf32>
    %add3A_23 = arith.addf %reduce_sum3A_19, %add3A_22 : vector<8000xf32>
    %custom_jvp_call3A = arith.constant 0.000000e+00 : f32
    %max3A = vector.broadcast %custom_jvp_call3A : f32 to vector<8000xf32>
    %max3A_24 = arith.maximumf %add3A_23, %max3A : vector<8000xf32>
    %sub3A = vector.broadcast %custom_jvp_call3A : f32 to vector<8000xf32>
    %sub3A_25 = arith.subf %add3A_23, %sub3A : vector<8000xf32>
    %ne3A = arith.cmpf one, %sub3A_25, %sub3A_25 : vector<8000xf32>
    %add3A_26 = vector.broadcast %custom_jvp_call3A : f32 to vector<8000xf32>
    %add3A_27 = arith.addf %add3A_23, %add3A_26 : vector<8000xf32>
    %abs3A = math.absf %sub3A_25 : vector<8000xf32>
    %neg3A = arith.constant 0.000000e+00 : f32
    %neg3A_28 = vector.broadcast %neg3A : f32 to vector<8000xf32>
    %neg3A_29 = arith.subf %neg3A_28, %abs3A : vector<8000xf32>
    %exp3A = math.exp %neg3A_29 : vector<8000xf32>
    %log1p3A = math.log1p %exp3A : vector<8000xf32>
    %add3A_30 = arith.addf %max3A_24, %log1p3A : vector<8000xf32>
    %select_n3A = arith.select %ne3A, %add3A_27, %add3A_30 : vector<8000xi1>, vector<8000xf32>
    %add3A_31 = arith.constant 9.99999997E-7 : f32
    %add3A_32 = vector.broadcast %add3A_31 : f32 to vector<8000xf32>
    %add3A_33 = arith.addf %select_n3A, %add3A_32 : vector<8000xf32>
    %reshape3A = vector.shape_cast %add3A_15 : vector<8000xf32> to vector<1x1x8000xf32>
    %swap3A = arith.constant 0 : index
    %swap3A_34 = arith.constant 0 : index
    %swap3A_35 = arith.constant 0 : index
    %swap3A_36 = vector.load %arg6[%swap3A, %swap3A_34, %swap3A_35] : memref<1x1x8000xf32, #tpu.memory_space<vmem>>, vector<1x1x8000xf32>
    tpu.vector_store %arg6[%swap3A, %swap3A_34, %swap3A_35], %reshape3A {strides = array<i32>} : memref<1x1x8000xf32, #tpu.memory_space<vmem>>, vector<1x1x8000xf32>,
    %reshape3A_37 = vector.shape_cast %add3A_33 : vector<8000xf32> to vector<1x1x8000xf32>
    %swap3A_38 = arith.constant 0 : index
    %swap3A_39 = arith.constant 0 : index
    %swap3A_40 = arith.constant 0 : index
    %swap3A_41 = vector.load %arg7[%swap3A_38, %swap3A_39, %swap3A_40] : memref<1x1x8000xf32, #tpu.memory_space<vmem>>, vector<1x1x8000xf32>
    tpu.vector_store %arg7[%swap3A_38, %swap3A_39, %swap3A_40], %reshape3A_37 {strides = array<i32>} : memref<1x1x8000xf32, #tpu.memory_space<vmem>>, vector<1x1x8000xf32>,
    %get3A_42 = arith.constant 0 : index
    %get3A_43 = arith.constant 0 : index
    %get3A_44 = arith.constant 0 : index
    %get3A_45 = vector.load %arg2[%get3A_42, %get3A_43, %get3A_44] : memref<1x1x8000xf32, #tpu.memory_space<vmem>>, vector<1x1x8000xf32>
    %slice3A_46 = vector.extract_strided_slice %get3A_12 {offsets = [0, 2], sizes = [1, 1], strides = [1, 1]} : vector<1x4xf32> to vector<1x1xf32>
    %squeeze3A_47 = vector.extract %slice3A_46[0, 0] : f32 from vector<1x1xf32>
    %log3A = math.log %get3A_45 : vector<1x1x8000xf32>
    %sub3A_48 = vector.broadcast %squeeze3A_47 : f32 to vector<1x1x8000xf32>
    %sub3A_49 = arith.subf %sub3A_48, %log3A : vector<1x1x8000xf32>
    %mul3A_50 = arith.constant 4.000000e+00 : f32
    %mul3A_51 = vector.broadcast %mul3A_50 : f32 to vector<1x1x8000xf32>
    %mul3A_52 = arith.mulf %mul3A_51, %sub3A_49 : vector<1x1x8000xf32>
    %swap3A_53 = arith.constant 0 : index
    %swap3A_54 = arith.constant 0 : index
    %swap3A_55 = arith.constant 0 : index
    %swap3A_56 = vector.load %arg8[%swap3A_53, %swap3A_54, %swap3A_55] : memref<1x1x8000xf32, #tpu.memory_space<vmem>>, vector<1x1x8000xf32>
    tpu.vector_store %arg8[%swap3A_53, %swap3A_54, %swap3A_55], %mul3A_52 {strides = array<i32>} : memref<1x1x8000xf32, #tpu.memory_space<vmem>>, vector<1x1x8000xf32>,
    %get3A_57 = arith.constant 0 : index
    %get3A_58 = arith.constant 0 : index
    %get3A_59 = vector.load %arg9[%get3A_57, %get3A_58] : memref<1x1xf32, #tpu.memory_space<vmem>>, vector<1x1xf32>
    %mul3A_60 = arith.mulf %add3A_15, %add3A_15 : vector<8000xf32>
    %mul3A_61 = arith.mulf %add3A_33, %add3A_33 : vector<8000xf32>
    %add3A_62 = arith.addf %mul3A_60, %mul3A_61 : vector<8000xf32>
    %log3A_63 = math.log %add3A_33 : vector<8000xf32>
    %mul3A_64 = arith.constant 2.000000e+00 : f32
    %mul3A_65 = vector.broadcast %mul3A_64 : f32 to vector<8000xf32>
    %mul3A_66 = arith.mulf %mul3A_65, %log3A_63 : vector<8000xf32>
    %sub3A_67 = arith.subf %add3A_62, %mul3A_66 : vector<8000xf32>
    %sub3A_68 = arith.constant 1.000000e+00 : f32
    %sub3A_69 = vector.broadcast %sub3A_68 : f32 to vector<8000xf32>
    %sub3A_70 = arith.subf %sub3A_67, %sub3A_69 : vector<8000xf32>
    %mul3A_71 = arith.constant 5.000000e-01 : f32
    %mul3A_72 = vector.broadcast %mul3A_71 : f32 to vector<8000xf32>
    %mul3A_73 = arith.mulf %mul3A_72, %sub3A_70 : vector<8000xf32>
    %reduce_sum3A_74 = vector.shape_cast %mul3A_73 : vector<8000xf32> to vector<1x8000xf32>
    %reduce_sum3A_75 = arith.constant dense<0.000000e+00> : vector<1xf32>
    %reduce_sum3A_76 = vector.multi_reduction <add>, %reduce_sum3A_74, %reduce_sum3A_75 [1] : vector<1x8000xf32> to vector<1xf32>
    %reduce_sum3A_77 = vector.shape_cast %reduce_sum3A_76 : vector<1xf32> to vector<1x1xf32>
    %reduce_sum3A_78 = vector.extract %reduce_sum3A_77[0, 0] : f32 from vector<1x1xf32>
    %reshape3A_79 = vector.broadcast %reduce_sum3A_78 : f32 to vector<1x1xf32>
    %add3A_80 = arith.addf %get3A_59, %reshape3A_79 : vector<1x1xf32>
    %swap3A_81 = arith.constant 0 : index
    %swap3A_82 = arith.constant 0 : index
    %swap3A_83 = vector.load %arg9[%swap3A_81, %swap3A_82] : memref<1x1xf32, #tpu.memory_space<vmem>>, vector<1x1xf32>
    tpu.vector_store %arg9[%swap3A_81, %swap3A_82], %add3A_80 {strides = array<i32>} : memref<1x1xf32, #tpu.memory_space<vmem>>, vector<1x1xf32>,
    return
  }
  func.func @transform_0(%arg0: i32) -> (i32, i32) {
    %c0_i32 = arith.constant 0 : i32
    %c0_i32_0 = arith.constant 0 : i32
    return %arg0, %c0_i32 : i32, i32
  }
  func.func @transform_1(%arg0: i32) -> (i32, i32, i32) {
    %c0_i32 = arith.constant 0 : i32
    %c0_i32_0 = arith.constant 0 : i32
    %c0_i32_1 = arith.constant 0 : i32
    return %arg0, %c0_i32, %c0_i32_0 : i32, i32, i32
  }
  func.func @transform_2(%arg0: i32) -> (i32, i32) {
    %c0_i32 = arith.constant 0 : i32
    %c0_i32_0 = arith.constant 0 : i32
    %c0_i32_1 = arith.constant 0 : i32
    return %c0_i32, %c0_i32_0 : i32, i32
  }
  func.func @transform_3(%arg0: i32) -> (i32, i32) {
    %c0_i32 = arith.constant 0 : i32
    %c0_i32_0 = arith.constant 0 : i32
    %c0_i32_1 = arith.constant 0 : i32
    return %c0_i32, %c0_i32_0 : i32, i32
  }
  func.func @transform_4(%arg0: i32) -> (i32, i32) {
    %c0_i32 = arith.constant 0 : i32
    %c0_i32_0 = arith.constant 0 : i32
    %c0_i32_1 = arith.constant 0 : i32
    return %c0_i32, %c0_i32_0 : i32, i32
  }
  func.func @transform_5(%arg0: i32) -> (i32, i32, i32) {
    %c0_i32 = arith.constant 0 : i32
    %c0_i32_0 = arith.constant 0 : i32
    %c0_i32_1 = arith.constant 0 : i32
    return %arg0, %c0_i32, %c0_i32_0 : i32, i32, i32
  }
  func.func @transform_6(%arg0: i32) -> (i32, i32, i32) {
    %c0_i32 = arith.constant 0 : i32
    %c0_i32_0 = arith.constant 0 : i32
    %c0_i32_1 = arith.constant 0 : i32
    return %arg0, %c0_i32, %c0_i32_0 : i32, i32, i32
  }
  func.func @transform_7(%arg0: i32) -> (i32, i32, i32) {
    %c0_i32 = arith.constant 0 : i32
    %c0_i32_0 = arith.constant 0 : i32
    %c0_i32_1 = arith.constant 0 : i32
    return %arg0, %c0_i32, %c0_i32_0 : i32, i32, i32
  }
  func.func @transform_8(%arg0: i32) -> (i32, i32) {
    %c0_i32 = arith.constant 0 : i32
    %c0_i32_0 = arith.constant 0 : i32
    %c0_i32_1 = arith.constant 0 : i32
    return %c0_i32, %c0_i32_0 : i32, i32
  }
}

module attributes {stable_mosaic.version = 14 : i64} {
  func.func @_post(%arg0: i32, %arg1: memref<256x1xf32, #tpu.memory_space<vmem>>, %arg2: memref<256x1xf32, #tpu.memory_space<vmem>>, %arg3: memref<256x4xf32, #tpu.memory_space<vmem>>, %arg4: memref<256x16xf32, #tpu.memory_space<vmem>>, %arg5: memref<1x1xf32, #tpu.memory_space<vmem>>) attributes {dimension_semantics = [#tpu.dimension_semantics<arbitrary>], iteration_bounds = array<i64: 128>, scalar_prefetch = 0 : i64, scratch_operands = 0 : i64, tpu.core_type = #tpu.core_type<tc>, window_params = [{transform_indices = @transform_0, window_bounds = array<i64: 256, 1>}, {transform_indices = @transform_1, window_bounds = array<i64: 256, 1>}, {transform_indices = @transform_2, window_bounds = array<i64: 256, 4>}, {transform_indices = @transform_3, window_bounds = array<i64: 256, 16>}, {pipeline_mode = #tpu.pipeline_mode<synchronous>, transform_indices = @transform_4, window_bounds = array<i64: 1, 1>}]} {
    %eq3A = arith.constant 0 : i32
    %eq3A_0 = arith.cmpi eq, %arg0, %eq3A : i32
    %convert_element_type3A = arith.extui %eq3A_0 : i1 to i32
    %cond3A = arith.constant 0 : i32
    %cond3A_1 = arith.cmpi ne, %convert_element_type3A, %cond3A : i32
    scf.if %cond3A_1 {
      %broadcast_in_dim3A_47 = arith.constant 0.000000e+00 : f32
      %broadcast_in_dim3A_48 = vector.broadcast %broadcast_in_dim3A_47 : f32 to vector<1x1xf32>
      %swap3A_49 = arith.constant 0 : index
      %swap3A_50 = arith.constant 0 : index
      %swap3A_51 = vector.load %arg5[%swap3A_49, %swap3A_50] : memref<1x1xf32, #tpu.memory_space<vmem>>, vector<1x1xf32>
      tpu.vector_store %arg5[%swap3A_49, %swap3A_50], %broadcast_in_dim3A_48 {strides = array<i32>} : memref<1x1xf32, #tpu.memory_space<vmem>>, vector<1x1xf32>,
    } else {
    }
    %get3A = arith.constant 0 : index
    %get3A_2 = arith.constant 0 : index
    %get3A_3 = vector.load %arg1[%get3A, %get3A_2] : memref<256x1xf32, #tpu.memory_space<vmem>>, vector<256x1xf32>
    %get3A_4 = arith.constant 0 : index
    %get3A_5 = arith.constant 0 : index
    %get3A_6 = vector.load %arg2[%get3A_4, %get3A_5] : memref<256x1xf32, #tpu.memory_space<vmem>>, vector<256x1xf32>
    %custom_jvp_call3A = arith.constant 0.000000e+00 : f32
    %max3A = vector.broadcast %custom_jvp_call3A : f32 to vector<256x1xf32>
    %max3A_7 = arith.maximumf %get3A_6, %max3A : vector<256x1xf32>
    %sub3A = vector.broadcast %custom_jvp_call3A : f32 to vector<256x1xf32>
    %sub3A_8 = arith.subf %get3A_6, %sub3A : vector<256x1xf32>
    %ne3A = arith.cmpf one, %sub3A_8, %sub3A_8 : vector<256x1xf32>
    %add3A = vector.broadcast %custom_jvp_call3A : f32 to vector<256x1xf32>
    %add3A_9 = arith.addf %get3A_6, %add3A : vector<256x1xf32>
    %abs3A = math.absf %sub3A_8 : vector<256x1xf32>
    %neg3A = arith.constant 0.000000e+00 : f32
    %neg3A_10 = vector.broadcast %neg3A : f32 to vector<256x1xf32>
    %neg3A_11 = arith.subf %neg3A_10, %abs3A : vector<256x1xf32>
    %exp3A = math.exp %neg3A_11 : vector<256x1xf32>
    %log1p3A = math.log1p %exp3A : vector<256x1xf32>
    %add3A_12 = arith.addf %max3A_7, %log1p3A : vector<256x1xf32>
    %select_n3A = arith.select %ne3A, %add3A_9, %add3A_12 : vector<256x1xi1>, vector<256x1xf32>
    %add3A_13 = arith.constant 9.99999997E-7 : f32
    %add3A_14 = vector.broadcast %add3A_13 : f32 to vector<256x1xf32>
    %add3A_15 = arith.addf %select_n3A, %add3A_14 : vector<256x1xf32>
    %get3A_16 = arith.constant 0 : index
    %get3A_17 = arith.constant 0 : index
    %get3A_18 = vector.load %arg3[%get3A_16, %get3A_17] : memref<256x4xf32, #tpu.memory_space<vmem>>, vector<256x4xf32>
    %mul3A = vector.broadcast %add3A_15 : vector<256x1xf32> to vector<256x4xf32>
    %mul3A_19 = arith.mulf %mul3A, %get3A_18 : vector<256x4xf32>
    %add3A_20 = vector.broadcast %get3A_3 : vector<256x1xf32> to vector<256x4xf32>
    %add3A_21 = arith.addf %add3A_20, %mul3A_19 : vector<256x4xf32>
    %broadcast_in_dim3A = arith.constant 0.000000e+00 : f32
    %broadcast_in_dim3A_22 = vector.broadcast %broadcast_in_dim3A : f32 to vector<256x12xf32>
    %concatenate3A = tpu.concatenate %add3A_21, %broadcast_in_dim3A_22 in 1 : vector<256x4xf32>, vector<256x12xf32> -> vector<256x16xf32>
    %swap3A = arith.constant 0 : index
    %swap3A_23 = arith.constant 0 : index
    %swap3A_24 = vector.load %arg4[%swap3A, %swap3A_23] : memref<256x16xf32, #tpu.memory_space<vmem>>, vector<256x16xf32>
    tpu.vector_store %arg4[%swap3A, %swap3A_23], %concatenate3A {strides = array<i32>} : memref<256x16xf32, #tpu.memory_space<vmem>>, vector<256x16xf32>,
    %get3A_25 = arith.constant 0 : index
    %get3A_26 = arith.constant 0 : index
    %get3A_27 = vector.load %arg5[%get3A_25, %get3A_26] : memref<1x1xf32, #tpu.memory_space<vmem>>, vector<1x1xf32>
    %mul3A_28 = arith.constant 5.000000e-01 : f32
    %mul3A_29 = vector.broadcast %mul3A_28 : f32 to vector<256x4xf32>
    %mul3A_30 = arith.mulf %mul3A_29, %add3A_21 : vector<256x4xf32>
    %mul3A_31 = arith.mulf %mul3A_30, %add3A_21 : vector<256x4xf32>
    %mul3A_32 = arith.constant 5.000000e-01 : f32
    %mul3A_33 = vector.broadcast %mul3A_32 : f32 to vector<256x4xf32>
    %mul3A_34 = arith.mulf %mul3A_33, %get3A_18 : vector<256x4xf32>
    %mul3A_35 = arith.mulf %mul3A_34, %get3A_18 : vector<256x4xf32>
    %sub3A_36 = arith.subf %mul3A_31, %mul3A_35 : vector<256x4xf32>
    %log3A = math.log %add3A_15 : vector<256x1xf32>
    %sub3A_37 = vector.broadcast %log3A : vector<256x1xf32> to vector<256x4xf32>
    %sub3A_38 = arith.subf %sub3A_36, %sub3A_37 : vector<256x4xf32>
    %reduce_sum3A = vector.shape_cast %sub3A_38 : vector<256x4xf32> to vector<1x256x4xf32>
    %reduce_sum3A_39 = arith.constant dense<0.000000e+00> : vector<1xf32>
    %reduce_sum3A_40 = vector.multi_reduction <add>, %reduce_sum3A, %reduce_sum3A_39 [1, 2] : vector<1x256x4xf32> to vector<1xf32>
    %reduce_sum3A_41 = vector.shape_cast %reduce_sum3A_40 : vector<1xf32> to vector<1x1x1xf32>
    %reduce_sum3A_42 = vector.extract %reduce_sum3A_41[0, 0, 0] : f32 from vector<1x1x1xf32>
    %reshape3A = vector.broadcast %reduce_sum3A_42 : f32 to vector<1x1xf32>
    %add3A_43 = arith.addf %get3A_27, %reshape3A : vector<1x1xf32>
    %swap3A_44 = arith.constant 0 : index
    %swap3A_45 = arith.constant 0 : index
    %swap3A_46 = vector.load %arg5[%swap3A_44, %swap3A_45] : memref<1x1xf32, #tpu.memory_space<vmem>>, vector<1x1xf32>
    tpu.vector_store %arg5[%swap3A_44, %swap3A_45], %add3A_43 {strides = array<i32>} : memref<1x1xf32, #tpu.memory_space<vmem>>, vector<1x1xf32>,
    return
  }
  func.func @transform_0(%arg0: i32) -> (i32, i32) {
    %c0_i32 = arith.constant 0 : i32
    %c0_i32_0 = arith.constant 0 : i32
    return %arg0, %c0_i32 : i32, i32
  }
  func.func @transform_1(%arg0: i32) -> (i32, i32) {
    %c0_i32 = arith.constant 0 : i32
    %c0_i32_0 = arith.constant 0 : i32
    return %arg0, %c0_i32 : i32, i32
  }
  func.func @transform_2(%arg0: i32) -> (i32, i32) {
    %c0_i32 = arith.constant 0 : i32
    %c0_i32_0 = arith.constant 0 : i32
    return %arg0, %c0_i32 : i32, i32
  }
  func.func @transform_3(%arg0: i32) -> (i32, i32) {
    %c0_i32 = arith.constant 0 : i32
    %c0_i32_0 = arith.constant 0 : i32
    return %arg0, %c0_i32 : i32, i32
  }
  func.func @transform_4(%arg0: i32) -> (i32, i32) {
    %c0_i32 = arith.constant 0 : i32
    %c0_i32_0 = arith.constant 0 : i32
    %c0_i32_1 = arith.constant 0 : i32
    return %c0_i32, %c0_i32_0 : i32, i32
  }
}

module attributes {stable_mosaic.version = 14 : i64} {
  func.func @_comb(%arg0: i32, %arg1: memref<32x10000xf32, #tpu.memory_space<vmem>>, %arg2: memref<32x10000xf32, #tpu.memory_space<vmem>>, %arg3: memref<1x10000xf32, #tpu.memory_space<vmem>>) attributes {dimension_semantics = [#tpu.dimension_semantics<arbitrary>], iteration_bounds = array<i64: 1>, scalar_prefetch = 0 : i64, scratch_operands = 0 : i64, tpu.core_type = #tpu.core_type<tc>, window_params = [{pipeline_mode = #tpu.pipeline_mode<synchronous>, transform_indices = @transform_0, window_bounds = array<i64: 32, 10000>}, {pipeline_mode = #tpu.pipeline_mode<synchronous>, transform_indices = @transform_1, window_bounds = array<i64: 32, 10000>}, {pipeline_mode = #tpu.pipeline_mode<synchronous>, transform_indices = @transform_2, window_bounds = array<i64: 1, 10000>}]} {
    %get3A = arith.constant 0 : index
    %get3A_0 = arith.constant 0 : index
    %get3A_1 = vector.load %arg1[%get3A, %get3A_0] : memref<32x10000xf32, #tpu.memory_space<vmem>>, vector<32x10000xf32>
    %reduce_sum3A = arith.constant dense<0.000000e+00> : vector<10000xf32>
    %reduce_sum3A_2 = vector.multi_reduction <add>, %get3A_1, %reduce_sum3A [0] : vector<32x10000xf32> to vector<10000xf32>
    %get3A_3 = arith.constant 0 : index
    %get3A_4 = arith.constant 0 : index
    %get3A_5 = vector.load %arg2[%get3A_3, %get3A_4] : memref<32x10000xf32, #tpu.memory_space<vmem>>, vector<32x10000xf32>
    %reduce_sum3A_6 = arith.constant dense<0.000000e+00> : vector<10000xf32>
    %reduce_sum3A_7 = vector.multi_reduction <add>, %get3A_5, %reduce_sum3A_6 [0] : vector<32x10000xf32> to vector<10000xf32>
    %max3A = arith.constant 1.000000e+00 : f32
    %max3A_8 = vector.broadcast %max3A : f32 to vector<10000xf32>
    %max3A_9 = arith.maximumf %reduce_sum3A_7, %max3A_8 : vector<10000xf32>
    %div3A = arith.divf %reduce_sum3A_2, %max3A_9 : vector<10000xf32>
    %neg3A = arith.constant 0.000000e+00 : f32
    %neg3A_10 = vector.broadcast %neg3A : f32 to vector<10000xf32>
    %neg3A_11 = arith.subf %neg3A_10, %div3A : vector<10000xf32>
    %mul3A = arith.constant 2.500000e-01 : f32
    %mul3A_12 = vector.broadcast %mul3A : f32 to vector<10000xf32>
    %mul3A_13 = arith.mulf %neg3A_11, %mul3A_12 : vector<10000xf32>
    %reshape3A = vector.shape_cast %mul3A_13 : vector<10000xf32> to vector<1x10000xf32>
    %swap3A = arith.constant 0 : index
    %swap3A_14 = arith.constant 0 : index
    %swap3A_15 = vector.load %arg3[%swap3A, %swap3A_14] : memref<1x10000xf32, #tpu.memory_space<vmem>>, vector<1x10000xf32>
    tpu.vector_store %arg3[%swap3A, %swap3A_14], %reshape3A {strides = array<i32>} : memref<1x10000xf32, #tpu.memory_space<vmem>>, vector<1x10000xf32>,
    return
  }
  func.func @transform_0(%arg0: i32) -> (i32, i32) {
    %c0_i32 = arith.constant 0 : i32
    %c0_i32_0 = arith.constant 0 : i32
    %c0_i32_1 = arith.constant 0 : i32
    return %c0_i32, %c0_i32_0 : i32, i32
  }
  func.func @transform_1(%arg0: i32) -> (i32, i32) {
    %c0_i32 = arith.constant 0 : i32
    %c0_i32_0 = arith.constant 0 : i32
    %c0_i32_1 = arith.constant 0 : i32
    return %c0_i32, %c0_i32_0 : i32, i32
  }
  func.func @transform_2(%arg0: i32) -> (i32, i32) {
    %c0_i32 = arith.constant 0 : i32
    %c0_i32_0 = arith.constant 0 : i32
    %c0_i32_1 = arith.constant 0 : i32
    return %c0_i32, %c0_i32_0 : i32, i32
  }
}

</mosaic_0001>

<sc_bundles>
// kernel: kernel.7.cloned.1.call-start
scs
__scs_entry_jumppad:
0x0: {  	(pc) =	sbr.rel $0x88, $3  }
0x1: {  	(tag) =	ssettag $0x0;
	lr =	simm.s32 $0x1  }
0x2: {  	[smem:$0x3F94] =	sst lr;
	_ =	strace $0xD0000000  }
0x3: {  	_ = 	snop  }
0x4: {  	_ = 	snop  }
0x5: {  	_ = 	snop  }
0x6: {  	_ = 	snop  }
0x7: {  	_ = 	snop  }
__scs_overlays_trampoline_lowered:
0x8: {  	[smem:$0x3FA3] =	sst s0  }
0x9: {  	[smem:$0x3FA4] =	sst s1  }
0xa: {  	[smem:$0x3FA5] =	sst s2  }
0xb: {  	[smem:$0x3FA6] =	sst s3  }
0xc: {  	[smem:$0x3FA7] =	sst s4  }
0xd: {  	[smem:$0x3FA8] =	sst s5  }
0xe: {  	[smem:$0x3FA9] =	sst s6  }
0xf: {  	[smem:$0x3FAA] =	sst s7  }
0x10: {  	[smem:$0x3FAB] =	sst s8  }
0x11: {  	[smem:$0x3FAC] =	sst s9;
	s0 =	simm.s32 @!p0 $0x0  }
0x12: {  	s1 =	sld [smem:$0x3F92];
	s0 =	simm.s32 @p0 $0x1  }
0x13: {  	[smem:$0x3FAD] =	sst s0;
	s0 =	simm.s32 @!p1 $0x0  }
0x14: {  	s2 =	sld [smem:$0x3F91];
	s0 =	simm.s32 @p1 $0x1  }
0x15: {  	[smem:$0x3FAE] =	sst s0;
	s0 =	simm.s32 @!p2 $0x0  }
0x16: {  	s3 =	sld [smem:$0x3FDB];
	s0 =	simm.s32 @p2 $0x1  }
0x17: {  	s4 =	simm.s32 $0x1BF5;
	[smem:$0x3FB0] =	sst s0  }
0x18: {  	s0 =	sld [smem:$0x3F93];
	_ =	swait.ge [sflag:s4], $0x0  }
0x19: {  	s7 =	sld [smem:$0x3F94]  }
0x1a: {  	s8 =	sadd.s32 $0xFFFFE003, lr  }
0x1b: {  	s9 =	sadd.s32 $0xFFFFFEF7, lr;
	s5 =	simm.s32 $0xFFFFFFFF;
	p2 =	slt.u32 s8, $0xFFFFF086  }
0x1c: {  	p1 =	slt.u32 s9, $0xF7A;
	s5 =	simm.s32 @!p2 $0x0  }
0x1d: {  	s5 =	simm.s32 @p1 $0x1;
	p0 =	seq.s32 s7, s2  }
0x1e: {  	s7 =	smul.u32 @!p0 $0xF7A, s2;
	p2 =	seq.s32 @!p0 s5, $0x0  }
0x1f: {  	s9 =	smul.u32 $0xF7A, s1;
	s8 =	simm.s32 @!p0 $0x1BF5;
	p2 =	por !p2, p0  }
0x20: {  	[sflag:s8] =	ssyncset.s32 @!p0 $0xFFFFF086;
	s6 =	sadd.s32 @!p0 s3, s7;
	s7 =	simm.s32 @!p0 $0x108  }
0x21: {  	s3 =	sadd.s32 s3, s9;
	s6 =	sadd.s32 @!p0 $0x88, s6;
	s7 =	simm.s32 @p2 $0x1082  }
0x22: {  	[simem:s7], [sflag:s8] =	dma.local @!p0 [hbm:s6], $0xF7A  }
0x23: {  	s9 =	sor.u32 $0xD0000000, s2;
	s6 =	simm.s32 $0x108;
	_ =	swait.ge @!p0 [sflag:s8], $0x0  }
0x24: {  	s3 =	sadd.s32 $0x88, s3;
	s6 =	simm.s32 @!p1 $0x1082;
	[sflag:s4] =	ssyncset.s32 $0xFFFFF086  }
0x25: {  	[simem:s6], [sflag:s4] =	dma.local [hbm:s3], $0xF7A  }
0x26: {  	[smem:$0x3F94] =	sst s1;
	(tag) =	ssettag s2;
	_ =	strace s9  }
0x27: {  	s1 =	sld [smem:$0x3FA4]  }
0x28: {  	s2 =	sld [smem:$0x3FA5]  }
0x29: {  	s4 =	sld [smem:$0x3FA7]  }
0x2a: {  	p0 =	seq.s32 s5, $0x0;
	s5 =	sld [smem:$0x3FA8]  }
0x2b: {  	s6 =	sld [smem:$0x3FA9]  }
0x2c: {  	s7 =	sld [smem:$0x3FAA]  }
0x2d: {  	s3 =	simm.s32 $0x108;
	s8 =	sld [smem:$0x3FAB]  }
0x2e: {  	s3 =	simm.s32 @!p0 $0x1082;
	s9 =	sld [smem:$0x3FAC]  }
0x2f: {  	lr =	sadd.s32 s0, s3;
	s0 =	sld [smem:$0x3FA3]  }
0x30: {  	s3 =	sld [smem:$0x3FA6]  }
0x31: {  	[smem:$0x3FAF] =	sst s10  }
0x32: {  	s10 =	sld [smem:$0x3FAD];
	_ =	sdelay $0x3  }
0x33: {  	p0 =	seq.s32 s10, $0x1;
	s10 =	sld [smem:$0x3FAF];
	_ =	sdelay $0x3  }
0x34: {  	[smem:$0x3FAF] =	sst s10  }
0x35: {  	s10 =	sld [smem:$0x3FAE];
	_ =	sdelay $0x3  }
0x36: {  	p1 =	seq.s32 s10, $0x1;
	s10 =	sld [smem:$0x3FAF];
	_ =	sdelay $0x3  }
0x37: {  	[smem:$0x3FAF] =	sst s10  }
0x38: {  	s10 =	sld [smem:$0x3FB0]  }
0x39: {  	_ = 	snop;
	(pc) =	sbr.ind lr, $3  }
0x3a: {  	_ = 	snop  }
0x3b: {  	_ = 	snop  }
0x3c: {  	p2 =	seq.s32 s10, $0x1;
	s10 =	sld [smem:$0x3FAF]  }
0x3d: {  	_ =	shalt  }
0x3e: {  	_ =	shalt  }
0x3f: {  	_ =	shalt  }
0x40: {  	_ =	shalt  }
0x41: {  	_ =	shalt  }
0x42: {  	_ =	shalt  }
0x43: {  	_ =	shalt  }
0x44: {  	_ =	shalt  }
0x45: {  	_ =	shalt  }
0x46: {  	_ =	shalt  }
0x47: {  	_ =	shalt  }
0x48: {  	_ =	shalt  }
0x49: {  	_ =	shalt  }
0x4a: {  	_ =	shalt  }
0x4b: {  	_ =	shalt  }
0x4c: {  	_ =	shalt  }
0x4d: {  	_ =	shalt  }
0x4e: {  	_ =	shalt  }
0x4f: {  	_ =	shalt  }
0x50: {  	_ =	shalt  }
0x51: {  	_ =	shalt  }
0x52: {  	_ =	shalt  }
0x53: {  	_ =	shalt  }
0x54: {  	_ =	shalt  }
0x55: {  	_ =	shalt  }
0x56: {  	_ =	shalt  }
0x57: {  	_ =	shalt  }
0x58: {  	_ =	shalt  }
0x59: {  	_ =	shalt  }
0x5a: {  	_ =	shalt  }
0x5b: {  	_ =	shalt  }
0x5c: {  	_ =	shalt  }
0x5d: {  	_ =	shalt  }
0x5e: {  	_ =	shalt  }
0x5f: {  	_ =	shalt  }
0x60: {  	_ =	shalt  }
0x61: {  	_ =	shalt  }
0x62: {  	_ =	shalt  }
0x63: {  	_ =	shalt  }
0x64: {  	_ =	shalt  }
0x65: {  	_ =	shalt  }
0x66: {  	_ =	shalt  }
0x67: {  	_ =	shalt  }
0x68: {  	_ =	shalt  }
0x69: {  	_ =	shalt  }
0x6a: {  	_ =	shalt  }
0x6b: {  	_ =	shalt  }
0x6c: {  	_ =	shalt  }
0x6d: {  	_ =	shalt  }
0x6e: {  	_ =	shalt  }
0x6f: {  	_ =	shalt  }
0x70: {  	_ =	shalt  }
0x71: {  	_ =	shalt  }
0x72: {  	_ =	shalt  }
0x73: {  	_ =	shalt  }
0x74: {  	_ =	shalt  }
0x75: {  	_ =	shalt  }
0x76: {  	_ =	shalt  }
0x77: {  	_ =	shalt  }
0x78: {  	_ =	shalt  }
0x79: {  	_ =	shalt  }
0x7a: {  	_ =	shalt  }
0x7b: {  	_ =	shalt  }
0x7c: {  	_ =	shalt  }
0x7d: {  	_ =	shalt  }
0x7e: {  	_ =	shalt  }
0x7f: {  	_ =	shalt  }
0x80: {  	_ =	shalt  }
0x81: {  	_ =	shalt  }
0x82: {  	_ =	shalt  }
0x83: {  	_ =	shalt  }
0x84: {  	_ =	shalt  }
0x85: {  	_ =	shalt  }
0x86: {  	_ =	shalt  }
0x87: {  	_ =	shalt  }
.Lfunc_end0:
.L_simem_size_0:
called_computation_lowered:
.L_overlay_start_0:
0x88: {  	s2 =	sld [smem:$0x3FD9]  }
0x89: {  	s3 =	sld [smem:$0x3FFE];
	_ =	sdelay $0x1  }
0x8a: {  	s1 =	srdreg.scid  }
0x8b: {  	s0 =	sand.u32 $0x1, s1  }
0x8c: {  	s14 =	sshll.u32 s0, $0xA;
	s2 =	sadd.s32 s3, s2  }
0x8d: {  	s2 =	sadd.s32 s2, s14  }
0x8e: {  	[smem:$0x3FBB] =	sst s2  }
0x8f: {  	_ = 	snop  }
0x90: {  	s2 =	sld [smem:$0x3FD0]  }
0x91: {  	s15 =	sld [smem:$0x3FC8]  }
0x92: {  	s4 =	sld [smem:$0x3FC7]  }
0x93: {  	s6 =	simm.s32 $0xA;
	s7 =	simm.s32 $0x10;
	s5 =	sld [smem:$0x3FBE]  }
0x94: {  	[smem:s7], [sflag:s6] =	dma.local [hbm:s2], $0x1  }
0x95: {  	_ =	swait.eq [sflag:s6], $0x1  }
0x96: {  	[sflag:s6] =	ssyncset.done $0x0  }
0x97: {  	[sflag:s6] =	ssyncadd.s32 $0xFFFFFFFF  }
0x98: {  	s16 =	sld [smem:$0x10];
	(tm) =	ssettm $0x1  }
0x99: {  	s17 =	sld [smem:$0x3FFB];
	_ =	sdelay $0x3  }
0x9a: {  	_ =	strace s17  }
0x9b: {  	s6 =	sld [smem:$0x3FFC];
	_ =	sdelay $0x3  }
0x9c: {  	_ =	strace s6  }
0x9d: {  	s6 =	sld [smem:$0x3FFD];
	_ =	sdelay $0x3  }
0x9e: {  	_ =	strace s6  }
0x9f: {  	_ =	strace $0x8FFFFFFF  }
0xa0: {  	s18 =	sld [smem:$0x3FDB];
	_ =	sdelay $0x1  }
0xa1: {  	s19 =	simm.s32 $_scs_section_size  }
0xa2: {  	s8 =	simm.s32 $_size__tile_overlayer_lowered;
	s9 =	simm.s32 $_tile_overlayer_lowered  }
0xa3: {  	s22 =	simm.s32 $0x1BFF;
	s21 =	sshll.u32 s9, $0x1;
	s6 =	sadd.s32 s19, s18  }
0xa4: {  	s10 =	simm.s32 $0x0;
	s20 =	sshll.u32 s8, $0x1;
	s8 =	sadd.s32 s21, s6  }
0xa5: {  	[timem:s10], [sflag:s22] =	dma.local [hbm:s8], s20  }
0xa6: {  	_ =	swait.ge [sflag:s22], s20  }
0xa7: {  	s7 =	ssub.s32 $0x0, s20;
	[sflag:s22] =	ssyncset.done $0x0  }
0xa8: {  	[sflag:s22] =	ssyncadd.s32 s7;
	_ =	sdelay $0x1  }
0xa9: {  	s23 =	simm.s32 $0x1B8B  }
0xaa: {  	_ =	swait.ge [sflag:s23], $0x1  }
0xab: {  	[sflag:s23] =	ssyncset.done $0x0  }
0xac: {  	s25 =	simm.s32 $0x1B8E;
	s24 =	sld [smem:$0x3FFE];
	[sflag:s23] =	ssyncadd.s32 $0xFFFFFFFF  }
0xad: {  	s26 =	simm.s32 $execute0_lowered;
	[smem:$0x3FD2] =	sst s25  }
0xae: {  	s8 =	sshll.u32 s26, $0x1;
	_ =	strace $0x80000046;
	[dreg:$0x1] =	wrdreg $0xFFFFFFFF  }
0xaf: {  	s28 =	simm.s32 $_size_execute0_lowered;
	s6 =	sadd.s32 s6, s8;
	[dreg:$0x0] =	wrdreg $0x0  }
0xb0: {  	s8 =	sshll.u32 s28, $0x1;
	[dreg:$0x2] =	wrdreg s6  }
0xb1: {  	[dreg:$0x3] =	wrdreg s8  }
0xb2: {  	[dreg:$0x4] =	wrdreg $0xC0  }
0xb3: {  	_ =	task [dreg:s10], $0x5FFFF  }
0xb4: {  	[dreg:$0x1] =	wrdreg $0xFFFFFFFF  }
0xb5: {  	[dreg:$0x0] =	wrdreg $0x60  }
0xb6: {  	[dreg:$0x2] =	wrdreg s24  }
0xb7: {  	[dreg:$0x3] =	wrdreg s15  }
0xb8: {  	[dreg:$0x4] =	wrdreg s4  }
0xb9: {  	[dreg:$0x5] =	wrdreg s5  }
0xba: {  	[dreg:$0x6] =	wrdreg s16  }
0xbb: {  	[dreg:$0x7] =	wrdreg $0x9  }
0xbc: {  	_ =	task.clear_ibuf [dreg:s10], $0x8FFFF;
	_ =	strace $0x90000046  }
0xbd: {  	s29 =	simm.s32 $0x9;
	_ =	strace $0x80000048  }
0xbe: {  	_ =	swait.ge [sflag:s29], $0x1  }
0xbf: {  	[sflag:s29] =	ssyncadd.s32 $0xFFFFFFFF  }
0xc0: {  	_ =	strace $0x90000048  }
0xc1: {  	_ =	sfence  }
0xc2: {  	s30 =	sld [smem:$0x0];
	_ =	sdelay $0x2  }
0xc3: {  	s31 =	sshll.u32 s1, $0xD;
	s1 =	sshrl.u32 s1, $0x2  }
0xc4: {  	s3 =	sand.u32 $0x4000, s31;
	s1 =	sadd.s32 s1, s30  }
0xc5: {  	s0 =	sor.u32 s3, s0;
	s1 =	sshll.u32 s1, $0x11  }
0xc6: {  	s0 =	sor.u32 s1, s0  }
0xc7: {  	s0 =	sadd.s32 $0x8F2B, s0  }
0xc8: {  	[sflag:s0] =	ssyncadd.remote.s32 $0x1  }
0xc9: {  	_ =	sfence.sel $0xFFFF  }
0xca: {  	[dreg:$0x0] =	wrdreg $0xFFFFFFFF;
	(pc) =	sbr.abs _section_cstart, $3  }
0xcb: {  	[dreg:$0x1] =	wrdreg $0xFFFFFFFF  }
0xcc: {  	_ =	task.clear_ibuf [dreg:s10], $0x2FFFF;
	_ =	strace $0x9FFFFFFF  }
0xcd: {  	(tm) =	ssettm $0x7FFFFFFF  }
tec
execute0_lowered:
.L_overlay_start_1:
0x0: {  	(tag) =	ssettag $0x1  }
0x1: {  	v0 =	vimm.f32 $0.0e+00;
	v1 =	vimm.s32 $0x52741630  }
0x2: {  	v9 =	vlaneseq.u32;
	v3 =	vimm.s32 $0x63052741;
	v10 =	vimm.s32 $0xFFEDCBA9  }
0x3: {  	v11 =	vimm.s32 $0xEDCBA987;
	v12 =	vimm.s32 $0x87654321;
	v13 =	vimm.s32 $0x65432100  }
0x4: {  	vm0 =	vcmask $0x3F3C;
	vm1 =	vcmask $0x300;
	v2 =	vunpack.c.l.s4.s8 v1  }
0x5: {  	v1 =	vmul.u32 $0x3, v9;
	v4 =	vunpack.c.l.s4.s8 v3;
	v3 =	vimm.s32 $0x74163052  }
0x6: {  	v5 =	vand.u32 $0x1, v9;
	v7 =	vmul.u32 $0x4, v9;
	v11 =	vunpack.c.l.s4.s8 v11  }
0x7: {  	v14 =	vunpack.c.l.s4.s8 v10;
	v12 =	vunpack.c.l.s4.s8 v12;
	v13 =	vunpack.c.l.s4.s8 v13  }
0x8: {  	v9 =	vmul.u32 $0x10, v9;
	v6 =	vunpack.c.l.s4.s8 v3;
	v8 =	vmul.u32 $0x4, v5  }
0x9: {  	v2 =	vunpack.c.0.s8.s32 v2;
	v3 =	vadd.s32 $0x1, v1;
	v4 =	vunpack.c.0.s8.s32 v4  }
0xa: {  	v5 =	vadd.s32 $0x2, v1;
	v10 =	vor.u32 $0x1, v7;
	v15 =	vunpack.c.0.s8.s32 v11  }
0xb: {  	v14 =	vunpack.c.0.s8.s32 v14;
	v16 =	vunpack.c.0.s8.s32 v12;
	v17 =	vunpack.c.0.s8.s32 v13  }
0xc: {  	v11 =	vor.u32 $0x2, v7;
	v12 =	vor.u32 $0x3, v7;
	v6 =	vunpack.c.0.s8.s32 v6  }
0xd: {  	v8 =	vor.u32 $0xFFFFFFF8, v8;
	v15 =	vand.u32 $0xF, v15;
	v13 =	vcombine.low v16, v14  }
0xe: {  	s0 =	rddreg [dreg:$0x0];
	v16 =	vimm.f32 $-1.500000000e+01;
	v14 =	vcombine.low v17, v15;
	v15 =	vimm.f32 $1.600000000e+01  }
0xf: {  	s3 =	simm.s32 $0x0;
	s1 =	srdreg.scid;
	s2 =	stileid.u32;
	v16 =	vsel vm1, $0x0, v16;
	v15 =	vsel vm1, $0x3F800000, v15;
	vm1 =	vcmask $0x704  }
0x10: {  	s18 =	simm.s32 $0x0;
	s19 =	simm.s32 $0x2;
	s20 =	simm.s32 $0x3;
	v15 =	vsel vm1, $0x40000000, v15;
	v16 =	vsel vm1, $0xBF800000, v16;
	vm1 =	vcmask $0xB08  }
0x11: {  	s28 =	simm.s32 $0x3840;
	s29 =	simm.s32 $0x80;
	s31 =	simm.s32 $0x5780;
	v15 =	vsel vm1, $0x40400000, v15;
	v16 =	vsel vm1, $0xC0000000, v16;
	vm1 =	vcmask $0xF0C  }
0x12: {  	s14 =	simm.s32 $0x56C0;
	s15 =	simm.s32 $0xAF80;
	s16 =	simm.s32 $0x40;
	v15 =	vsel vm1, $0x40800000, v15;
	v16 =	vsel vm1, $0xC0400000, v16;
	vm1 =	vcmask $0x1310  }
0x13: {  	s6 =	simm.s32 $0x5740;
	s17 =	simm.s32 $0xB780;
	s4 =	simm.s32 $0xBB80;
	v15 =	vsel vm1, $0x40A00000, v15;
	v16 =	vsel vm1, $0xC0800000, v16;
	vm1 =	vcmask $0x1714  }
0x14: {  	s5 =	simm.s32 $0x0;
	[smem:$0x7FF] =	sst s3;
	s1 =	sand.u32 $0x1, s1;
	v15 =	vsel vm1, $0x40C00000, v15;
	v16 =	vsel vm1, $0xC0A00000, v16;
	vm1 =	vcmask $0x1B18  }
0x15: {  	s2 =	sshll.u32 s2, $0x1;
	s7 =	sadd.s32 $0x1000, s0;
	s9 =	sadd.s32 $0x1FA00, s0;
	v15 =	vsel vm1, $0x40E00000, v15;
	v16 =	vsel vm1, $0xC0C00000, v16;
	vm1 =	vcmask $0x1F1C  }
0x16: {  	s10 =	sadd.s32 $0x3E400, s0;
	s11 =	sadd.s32 $0xF9F200, s0;
	s8 =	sor.u32 s1, s2;
	v15 =	vsel vm1, $0x41000000, v15;
	v16 =	vsel vm1, $0xC0E00000, v16;
	vm1 =	vcmask $0x2320  }
0x17: {  	s12 =	sadd.s32 $0xFFAC00, s0;
	s1 =	ssub.s32 $0x2, s1;
	s2 =	smul.u32 $0x4E2, s8;
	v15 =	vsel vm1, $0x41100000, v15;
	v16 =	vsel vm1, $0xC1000000, v16;
	vm1 =	vcmask $0x2724  }
0x18: {  	s13 =	sadd.s32 $0x5CE00, s0;
	_ =	strace $0x80000047;
	s24 =	sshrl.u32 s1, $0x1;
	v15 =	vsel vm1, $0x41200000, v15;
	v16 =	vsel vm1, $0xC1100000, v16;
	vm1 =	vcmask $0x2B28  }
.Ltmp0:
0x19: {  	s2 =	sadd.s32 s2, s0;
	s0 =	sadd.s32 $0x6CE00, s0;
	v15 =	vsel vm1, $0x41300000, v15;
	v16 =	vsel vm1, $0xC1200000, v16;
	vm1 =	vcmask $0x2F2C;
	(pc) =	sbr.rel .LBB2_1-.Ltmp0, $4  }
0x1a: {  	s25 =	ssub.s32 s1, s24;
	[dreg:$0x6] =	wrdreg s0;
	s26 =	sadd.s32 $0x6D000, s2;
	v15 =	vsel vm1, $0x41400000, v15;
	v16 =	vsel vm1, $0xC1300000, v16;
	vm1 =	vcmask $0x3330  }
0x1b: {  	s1 =	simm.s32 $0xC1C0;
	s30 =	sadd.s32 $0x76E00, s2;
	[dreg:$0x7] =	wrdreg s26;
	v15 =	vsel vm1, $0x41500000, v15;
	v16 =	vsel vm1, $0xC1400000, v16;
	vm1 =	vcmask $0x3734  }
0x1c: {  	s0 =	smax.u32 s25, $0x1;
	s2 =	simm.s32 $0xE8D0;
	[dreg:$0x8] =	wrdreg s30;
	v15 =	vsel vm1, $0x41600000, v15;
	v16 =	vsel vm1, $0xC1500000, v16;
	vm1 =	vcmask $0x3B38  }
0x1d: {  	[dreg:$0x9] =	wrdreg s0;
	s26 =	simm.s32 $0x2580;
	s0 =	simm.s32 $0x1;
	v15 =	vsel vm1, $0x41700000, v15;
	v16 =	vsel vm1, $0xC1600000, v16;
	vm1 =	vcmask $0x3F04  }
.LBB2_11:
0x1e: {  	s3 =	simm.s32 $0x0;
	s5 =	rddreg [dreg:$0x7]  }
0x1f: {  	[hbm4b:s5+s3] =	stream.linear.scatter [tilespmem:s1], [sflag:$0x2], $0x2710, $0x38;
	[tilespmem:$0x10FF0] =	vst v63  }
0x20: {  	_ =	swait.ge [sflag:s19], $0x2710  }
0x21: {  	[sflag:s19] =	ssyncset.done $0x0  }
0x22: {  	s24 =	rddreg [dreg:$0x8];
	[sflag:s19] =	ssyncadd.s32 $0xFFFFD8F0  }
0x23: {  	[hbm4b:s24+s3] =	stream.linear.scatter [tilespmem:s2], [sflag:$0x2], $0x2710, $0x38;
	[tilespmem:$0x10FF0] =	vst v63  }
0x24: {  	_ =	swait.ge [sflag:s19], $0x2710  }
0x25: {  	s25 =	rddreg [dreg:$0xa]  }
0x26: {  	s30 =	rddreg [dreg:$0x9];
	s5 =	sadd.s32 $0x1, s25  }
0x27: {  	p0 =	sne.s32 s5, s30  }
.Ltmp1:
0x28: {  	_ = 	snop;
	(pc) =	sbr.rel @!p0 .LBB2_12-.Ltmp1, $3  }
0x29: {  	_ =	sdelay $0x1  }
0x2a: {  	[sflag:s19] =	ssyncset.done $0x0  }
0x2b: {  	s18 =	simm.s32 $0x0;
	[sflag:s19] =	ssyncadd.s32 $0xFFFFD8F0  }
.LBB2_1:
0x2c: {  	[dreg:$0xa] =	wrdreg s5;
	s3 =	simm.s32 $0x40;
	s21 =	simm.s32 $0x0  }
.LBB2_2:
0x2d: {  	p0 =	sne.s32 s3, $0x9C00;
	[tilespmem:s21+$0xC1C0] =	vst v0;
	s22 =	smov.u32 s3;
	s3 =	sadd.s32 $0x40, s3  }
.Ltmp2:
0x2e: {  	[tilespmem:s21+$0xE8D0] =	vst v0;
	(pc) =	sbr.rel @p0 .LBB2_2-.Ltmp2, $2  }
0x2f: {  	_ =	sdelay $0x2  }
0x30: {  	s21 =	sshra.s32 s22, $0x2  }
0x31: {  	[tilespmem:s21+$0xC1C0] =	vst v0  }
0x32: {  	[tilespmem:s21+$0xE8D0] =	vst v0;
	s21 =	simm.s32 $0x0;
	s3 =	rddreg [dreg:$0x6];
	s5 =	simm.s32 $0x10FE0  }
0x33: {  	[tilespmem:s5], [sflag:$0x2] =	stream.linear.gather [hbm4b:s3+s21], $0x10, $0x38;
	[tilespmem:$0x10FF0] =	vst v63  }
.Ltmp3:
0x34: {  	_ = 	snop;
	(pc) =	sbr.rel .LBB2_4-.Ltmp3, $4  }
0x35: {  	_ =	swait.ge [sflag:s19], $0x10  }
0x36: {  	[sflag:s19] =	ssyncset.done $0x0  }
0x37: {  	[sflag:s19] =	ssyncadd.s32 $0xFFFFFFF0  }
0x38: {  	v17 =	vld [tilespmem:$0x10FE0]  }
.LBB2_10:
0x39: {  	s21 =	sadd.s32 $0x1, s21  }
0x3a: {  	p0 =	sne.s32 s21, $0x14  }
.Ltmp4:
0x3b: {  	_ = 	snop;
	(pc) =	sbr.rel @!p0 .LBB2_11-.Ltmp4, $1  }
0x3c: {  	_ =	sdelay $0x3  }
.LBB2_4:
0x3d: {  	s3 =	sshll.u32 s21, $0x5  }
0x3e: {  	s3 =	sor.u32 s8, s3  }
0x3f: {  	p0 =	sgt.u32 s3, $0x270  }
.Ltmp5:
0x40: {  	_ = 	snop;
	(pc) =	sbr.rel @p0 .LBB2_10-.Ltmp5, $1  }
0x41: {  	_ =	sdelay $0x3  }
0x42: {  	s22 =	smul.u32 $0xC8, s3;
	_ =	sdelay $0x1  }
0x43: {  	s24 =	simm.s32 $0x0;
	s23 =	sadd.s32 s7, s22  }
0x44: {  	[tilespmem:s24], [sflag:$0x3] =	stream.linear.gather [hbm4b:s23+s24], $0x640, $0x38;
	[tilespmem:$0x10FF0] =	vst v63  }
0x45: {  	_ =	swait.ge [sflag:s20], $0x640  }
0x46: {  	[sflag:s20] =	ssyncset.done $0x0  }
0x47: {  	s5 =	simm.s32 $0x640;
	s30 =	sadd.s32 s9, s22;
	[sflag:s20] =	ssyncadd.s32 $0xFFFFF9C0  }
0x48: {  	[tilespmem:s5], [sflag:$0x3] =	stream.linear.gather [hbm4b:s30+s24], $0x640, $0x38;
	[tilespmem:$0x10FF0] =	vst v63  }
0x49: {  	_ =	swait.ge [sflag:s20], $0x640  }
0x4a: {  	[sflag:s20] =	ssyncset.done $0x0  }
0x4b: {  	[sflag:s20] =	ssyncadd.s32 $0xFFFFF9C0  }
0x4c: {  	s23 =	rddreg [dreg:$0x1]  }
0x4d: {  	s30 =	simm.s32 $0xC80;
	s25 =	sadd.s32 s23, s22  }
0x4e: {  	[tilespmem:s30], [sflag:$0x3] =	stream.linear.gather [hbm4b:s25+s24], $0x640, $0x38;
	[tilespmem:$0x10FF0] =	vst v63  }
0x4f: {  	_ =	swait.ge [sflag:s20], $0x640  }
0x50: {  	[sflag:s20] =	ssyncset.done $0x0  }
0x51: {  	[sflag:s20] =	ssyncadd.s32 $0xFFFFF9C0  }
0x52: {  	s23 =	rddreg [dreg:$0x2]  }
0x53: {  	s30 =	simm.s32 $0x12C0;
	s25 =	sadd.s32 s23, s22  }
0x54: {  	[tilespmem:s30], [sflag:$0x3] =	stream.linear.gather [hbm4b:s25+s24], $0x640, $0x38;
	[tilespmem:$0x10FF0] =	vst v63  }
0x55: {  	_ =	swait.ge [sflag:s20], $0x640  }
0x56: {  	[sflag:s20] =	ssyncset.done $0x0  }
0x57: {  	s25 =	sadd.s32 s10, s22;
	s30 =	simm.s32 $0x1900;
	[sflag:s20] =	ssyncadd.s32 $0xFFFFF9C0  }
0x58: {  	[tilespmem:s30], [sflag:$0x3] =	stream.linear.gather [hbm4b:s25+s24], $0x640, $0x38;
	[tilespmem:$0x10FF0] =	vst v63  }
0x59: {  	_ =	swait.ge [sflag:s20], $0x640  }
0x5a: {  	[sflag:s20] =	ssyncset.done $0x0  }
0x5b: {  	[sflag:s20] =	ssyncadd.s32 $0xFFFFF9C0  }
0x5c: {  	s23 =	rddreg [dreg:$0x3]  }
0x5d: {  	s30 =	simm.s32 $0x1F40;
	s25 =	sadd.s32 s23, s22  }
0x5e: {  	[tilespmem:s30], [sflag:$0x3] =	stream.linear.gather [hbm4b:s25+s24], $0x640, $0x38;
	[tilespmem:$0x10FF0] =	vst v63  }
0x5f: {  	s5 =	smul.u32 $0x258, s3;
	_ =	swait.ge [sflag:s20], $0x640  }
0x60: {  	[sflag:s20] =	ssyncset.done $0x0  }
0x61: {  	s23 =	sadd.s32 s11, s5;
	[sflag:s20] =	ssyncadd.s32 $0xFFFFF9C0  }
0x62: {  	[tilespmem:s26], [sflag:$0x3] =	stream.linear.gather [hbm4b:s23+s24], $0x12C0, $0x38;
	[tilespmem:$0x10FF0] =	vst v63  }
0x63: {  	v18 =	vadd.s32 s24, v1;
	s25 =	smul.u32 $0x320, s3;
	_ =	swait.ge [sflag:s20], $0x12C0  }
0x64: {  	v19 =	vadd.s32 s24, v3;
	v18 =	vand.u32 $0x3FF8, v18;
	[sflag:s20] =	ssyncset.done $0x0  }
0x65: {  	v19 =	vand.u32 $0x3FF8, v19;
	v18 =	vor.u32 v2, v18;
	s3 =	sadd.s32 s12, s25;
	[sflag:s20] =	ssyncadd.s32 $0xFFFFED40  }
0x66: {  	v20 =	vadd.s32 s24, v5;
	v19 =	vor.u32 v4, v19;
	[tilespmem:s28], [sflag:$0x3] =	stream.linear.gather [hbm4b:s3+s24], $0x1900, $0x38;
	[tilespmem:$0x10FF0] =	vst v63  }
0x67: {  	v20 =	vand.u32 $0x3FF8, v20;
	_ =	swait.ge [sflag:s20], $0x1900  }
0x68: {  	v20 =	vor.u32 v6, v20;
	[sflag:s20] =	ssyncset.done $0x0  }
0x69: {  	[sflag:s20] =	ssyncadd.s32 $0xFFFFE700  }
0x6a: {  	v18 =	vld.idx.msk [tilespmem:v18+s26+$0x0], $0xffff  }
0x6b: {  	v19 =	vld.idx.msk [tilespmem:v19+s26+$0x0], $0xffff  }
0x6c: {  	s30 =	simm.s32 $0x30  }
0x6d: {  	v21 =	vadd.s32 s30, v1;
	v20 =	vld.idx.msk [tilespmem:v20+s26+$0x0], $0xffff  }
0x6e: {  	v22 =	vadd.s32 s30, v3;
	v21 =	vand.u32 $0x3FF8, v21  }
0x6f: {  	v23 =	vadd.s32 s30, v5;
	v22 =	vand.u32 $0x3FF8, v22;
	v21 =	vor.u32 v2, v21  }
0x70: {  	v22 =	vor.u32 v4, v22;
	v18 =	vshll.u32 v18, $0xA;
	v19 =	vshll.u32 v19, $0x5  }
0x71: {  	v23 =	vand.u32 $0x3FF8, v23;
	v18 =	vadd.s32 v18, v19  }
0x72: {  	v23 =	vor.u32 v6, v23;
	s3 =	simm.s32 $0x5140;
	v18 =	vadd.s32 v20, v18  }
0x73: {  	[tilespmem:s3+$0x0] =	vst v18  }
0x74: {  	v19 =	vld.idx.msk [tilespmem:v21+s26+$0x0], $0xffff  }
0x75: {  	v20 =	vld.idx.msk [tilespmem:v22+s26+$0x0], $0xffff  }
0x76: {  	s23 =	simm.s32 $0x60  }
0x77: {  	v21 =	vadd.s32 s23, v1;
	v18 =	vld.idx.msk [tilespmem:v23+s26+$0x0], $0xffff  }
0x78: {  	s24 =	simm.s32 $0x90;
	v22 =	vadd.s32 s23, v3;
	v21 =	vand.u32 $0x3FF8, v21  }
.LBB2_6:
0x79: {  	p0 =	sne.s32 s24, $0x1290;
	v21 =	vor.u32 v2, v21;
	v22 =	vand.u32 $0x3FF8, v22;
	v23 =	vadd.s32 s23, v5;
	s23 =	smov.u32 s24  }
0x7a: {  	v19 =	vshll.u32 v19, $0xA;
	v20 =	vshll.u32 v20, $0x5;
	v22 =	vor.u32 v4, v22  }
0x7b: {  	v23 =	vand.u32 $0x3FF8, v23;
	v19 =	vadd.s32 v19, v20  }
0x7c: {  	s3 =	sadd.s32 $0x10, s3;
	v23 =	vor.u32 v6, v23;
	v18 =	vadd.s32 v18, v19  }
0x7d: {  	[tilespmem:s3+$0x0] =	vst v18  }
0x7e: {  	v19 =	vld.idx.msk [tilespmem:v21+s26+$0x0], $0xffff  }
.Ltmp6:
0x7f: {  	v20 =	vld.idx.msk [tilespmem:v22+s26+$0x0], $0xffff;
	(pc) =	sbr.rel @p0 .LBB2_6-.Ltmp6, $4  }
0x80: {  	_ = 	snop  }
0x81: {  	v18 =	vld.idx.msk [tilespmem:v23+s26+$0x0], $0xffff  }
0x82: {  	v21 =	vadd.s32 s24, v1  }
0x83: {  	s24 =	sadd.s32 $0x30, s24;
	v21 =	vand.u32 $0x3FF8, v21;
	v22 =	vadd.s32 s23, v3  }
0x84: {  	v21 =	vor.u32 v2, v21;
	v22 =	vand.u32 $0x3FF8, v22;
	v23 =	vadd.s32 s23, v5  }
0x85: {  	v19 =	vshll.u32 v19, $0xA;
	v20 =	vshll.u32 v20, $0x5;
	v22 =	vor.u32 v4, v22  }
0x86: {  	v23 =	vand.u32 $0x3FF8, v23;
	v19 =	vadd.s32 v19, v20  }
0x87: {  	s3 =	sadd.s32 $0x10, s3;
	v20 =	vor.u32 v6, v23;
	v18 =	vadd.s32 v18, v19  }
0x88: {  	[tilespmem:s3+$0x0] =	vst v18  }
0x89: {  	v18 =	vld.idx.msk [tilespmem:v21+s26+$0x0], $0xffff  }
0x8a: {  	v19 =	vld.idx.msk [tilespmem:v22+s26+$0x0], $0xffff;
	_ =	sdelay $0x1  }
0x8b: {  	v20 =	vld.idx.msk [tilespmem:v20+s26+$0x0], $0xffff;
	_ =	sdelay $0x2  }
0x8c: {  	v18 =	vshll.u32 v18, $0xA;
	v19 =	vshll.u32 v19, $0x5  }
0x8d: {  	v18 =	vadd.s32 v18, v19  }
0x8e: {  	s3 =	sadd.s32 $0x10, s3;
	v18 =	vadd.s32 v20, v18  }
0x8f: {  	s24 =	simm.s32 $0x5140;
	[tilespmem:s3+$0x0] =	vst v18  }
0x90: {  	[tilespmem:s31], [sflag:$0x1] =	stream.indirect.gather [hbm4b:s13+s29], $0x10, s24, s29, $0xb8;
	[tilespmem:$0x10FF0] =	vst v63  }
0x91: {  	s25 =	simm.s32 $0x51C0;
	s5 =	simm.s32 $0x5F80  }
0x92: {  	[tilespmem:s5], [sflag:$0x1] =	stream.indirect.gather [hbm4b:s13+s29], $0x10, s25, s29, $0xb8;
	[tilespmem:$0x10FF0] =	vst v63  }
0x93: {  	s23 =	simm.s32 $0x6780;
	s5 =	simm.s32 $0x5240  }
0x94: {  	[tilespmem:s23], [sflag:$0x1] =	stream.indirect.gather [hbm4b:s13+s29], $0x10, s5, s29, $0xb8;
	[tilespmem:$0x10FF0] =	vst v63  }
0x95: {  	s24 =	simm.s32 $0x52C0;
	s25 =	simm.s32 $0x6F80  }
0x96: {  	[tilespmem:s25], [sflag:$0x1] =	stream.indirect.gather [hbm4b:s13+s29], $0x10, s24, s29, $0xb8;
	[tilespmem:$0x10FF0] =	vst v63  }
0x97: {  	s5 =	simm.s32 $0x5340;
	s23 =	simm.s32 $0x7780  }
0x98: {  	[tilespmem:s23], [sflag:$0x1] =	stream.indirect.gather [hbm4b:s13+s29], $0x10, s5, s29, $0xb8;
	[tilespmem:$0x10FF0] =	vst v63  }
0x99: {  	s24 =	simm.s32 $0x53C0;
	s25 =	simm.s32 $0x7F80  }
0x9a: {  	[tilespmem:s25], [sflag:$0x1] =	stream.indirect.gather [hbm4b:s13+s29], $0x10, s24, s29, $0xb8;
	[tilespmem:$0x10FF0] =	vst v63  }
0x9b: {  	s5 =	simm.s32 $0x5440;
	s23 =	simm.s32 $0x8780  }
0x9c: {  	[tilespmem:s23], [sflag:$0x1] =	stream.indirect.gather [hbm4b:s13+s29], $0x10, s5, s29, $0xb8;
	[tilespmem:$0x10FF0] =	vst v63  }
0x9d: {  	s24 =	simm.s32 $0x54C0;
	s25 =	simm.s32 $0x8F80  }
0x9e: {  	[tilespmem:s25], [sflag:$0x1] =	stream.indirect.gather [hbm4b:s13+s29], $0x10, s24, s29, $0xb8;
	[tilespmem:$0x10FF0] =	vst v63  }
0x9f: {  	s5 =	simm.s32 $0x5540;
	s23 =	simm.s32 $0x9780  }
0xa0: {  	[tilespmem:s23], [sflag:$0x1] =	stream.indirect.gather [hbm4b:s13+s29], $0x10, s5, s29, $0xb8;
	[tilespmem:$0x10FF0] =	vst v63  }
0xa1: {  	s24 =	simm.s32 $0x55C0;
	s25 =	simm.s32 $0x9F80  }
0xa2: {  	[tilespmem:s25], [sflag:$0x1] =	stream.indirect.gather [hbm4b:s13+s29], $0x10, s24, s29, $0xb8;
	[tilespmem:$0x10FF0] =	vst v63  }
0xa3: {  	s5 =	simm.s32 $0x5640;
	s23 =	simm.s32 $0xA780  }
0xa4: {  	[tilespmem:s23], [sflag:$0x1] =	stream.indirect.gather [hbm4b:s13+s29], $0x10, s5, s29, $0xb8;
	[tilespmem:$0x10FF0] =	vst v63  }
0xa5: {  	_ = 	snop  }
0xa6: {  	[tilespmem:s15], [sflag:$0x1] =	stream.indirect.gather [hbm4b:s13+s29], $0x10, s14, s29, $0xb8;
	[tilespmem:$0x10FF0] =	vst v63  }
0xa7: {  	_ = 	snop  }
0xa8: {  	[tilespmem:s17], [sflag:$0x1] =	stream.indirect.gather [hbm4b:s13+s16], $0x10, s6, s16, $0xb8;
	[tilespmem:$0x10FF0] =	vst v63  }
0xa9: {  	_ =	swait.ge [sflag:s0], $0x800  }
0xaa: {  	[sflag:s0] =	ssyncset.done $0x0  }
0xab: {  	[sflag:s0] =	ssyncadd.s32 $0xFFFFF800  }
0xac: {  	_ =	swait.ge [sflag:s0], $0x800  }
0xad: {  	[sflag:s0] =	ssyncset.done $0x0  }
0xae: {  	[sflag:s0] =	ssyncadd.s32 $0xFFFFF800  }
0xaf: {  	_ =	swait.ge [sflag:s0], $0x800  }
0xb0: {  	[sflag:s0] =	ssyncset.done $0x0  }
0xb1: {  	[sflag:s0] =	ssyncadd.s32 $0xFFFFF800  }
0xb2: {  	_ =	swait.ge [sflag:s0], $0x800  }
0xb3: {  	[sflag:s0] =	ssyncset.done $0x0  }
0xb4: {  	[sflag:s0] =	ssyncadd.s32 $0xFFFFF800  }
0xb5: {  	_ =	swait.ge [sflag:s0], $0x800  }
0xb6: {  	[sflag:s0] =	ssyncset.done $0x0  }
0xb7: {  	[sflag:s0] =	ssyncadd.s32 $0xFFFFF800  }
0xb8: {  	_ =	swait.ge [sflag:s0], $0x800  }
0xb9: {  	[sflag:s0] =	ssyncset.done $0x0  }
0xba: {  	[sflag:s0] =	ssyncadd.s32 $0xFFFFF800  }
0xbb: {  	_ =	swait.ge [sflag:s0], $0x800  }
0xbc: {  	[sflag:s0] =	ssyncset.done $0x0  }
0xbd: {  	[sflag:s0] =	ssyncadd.s32 $0xFFFFF800  }
0xbe: {  	_ =	swait.ge [sflag:s0], $0x800  }
0xbf: {  	[sflag:s0] =	ssyncset.done $0x0  }
0xc0: {  	[sflag:s0] =	ssyncadd.s32 $0xFFFFF800  }
0xc1: {  	_ =	swait.ge [sflag:s0], $0x800  }
0xc2: {  	[sflag:s0] =	ssyncset.done $0x0  }
0xc3: {  	[sflag:s0] =	ssyncadd.s32 $0xFFFFF800  }
0xc4: {  	_ =	swait.ge [sflag:s0], $0x800  }
0xc5: {  	[sflag:s0] =	ssyncset.done $0x0  }
0xc6: {  	[sflag:s0] =	ssyncadd.s32 $0xFFFFF800  }
0xc7: {  	_ =	swait.ge [sflag:s0], $0x800  }
0xc8: {  	[sflag:s0] =	ssyncset.done $0x0  }
0xc9: {  	s24 =	simm.s32 $0x0;
	[sflag:s0] =	ssyncadd.s32 $0xFFFFF800  }
0xca: {  	v18 =	vor.u32 s24, v7;
	_ =	swait.ge [sflag:s0], $0x800  }
0xcb: {  	v18 =	vand.u32 v8, v18;
	[sflag:s0] =	ssyncset.done $0x0  }
0xcc: {  	[sflag:s0] =	ssyncadd.s32 $0xFFFFF800  }
0xcd: {  	v19 =	vor.u32 s24, v10;
	_ =	swait.ge [sflag:s0], $0x400  }
0xce: {  	[sflag:s0] =	ssyncset.done $0x0  }
0xcf: {  	v20 =	vor.u32 s24, v11;
	[sflag:s0] =	ssyncadd.s32 $0xFFFFFC00  }
0xd0: {  	s25 =	simm.s32 $0x0;
	v18 =	vld.idx.msk [tilespmem:v18+s28+$0x0], $0xffff  }
0xd1: {  	v21 =	vor.u32 s24, v12;
	v22 =	vld [tilespmem:s25+$0x640]  }
0xd2: {  	v19 =	vld.idx.msk [tilespmem:v19+s28+$0x0], $0xffff  }
0xd3: {  	v23 =	vld [tilespmem:s25+$0x0]  }
0xd4: {  	v20 =	vld.idx.msk [tilespmem:v20+s28+$0x0], $0xffff;
	_ =	sdelay $0x1  }
0xd5: {  	v24 =	vmov s24;
	v21 =	vld.idx.msk [tilespmem:v21+s28+$0x0], $0xffff;
	v18 =	vmul.f32 v18, v22  }
0xd6: {  	v24 =	vshll.u32 v24, $0x4;
	v19 =	vmul.f32 v19, v22  }
0xd7: {  	v24 =	vor.u32 v9, v24;
	v18 =	vadd.f32 v18, v23  }
0xd8: {  	v20 =	vmul.f32 v20, v22;
	v19 =	vadd.f32 v19, v23  }
0xd9: {  	v25 =	vor.u32 $0x1, v24;
	v18 =	vmul.f32 $1.442695020e+00, v18  }
0xda: {  	v21 =	vmul.f32 v21, v22;
	v20 =	vadd.f32 v20, v23;
	v19 =	vmul.f32 $1.442695020e+00, v19  }
0xdb: {  	v22 =	vor.u32 $0x2, v24;
	(erf) = vpow2.f32 v18  }
0xdc: {  	v18 =	vmul.f32 $1.442695020e+00, v20;
	v20 =	vadd.f32 v21, v23;
	(erf) = vpow2.f32 v19;
	v19 =	vld.idx.msk [tilespmem:v24+s31+$0x0], $0xffff;
	_ =	sdelay $0x1  }
0xdd: {  	v60 =	vld [tilespmem:s25+$0x12C0];
	v23 =	vor.u32 $0x3, v24;
	v20 =	vmul.f32 $1.442695020e+00, v20;
	(erf) = vpow2.f32 v18  }
0xde: {  	v21 =	vld.idx.msk [tilespmem:v25+s31+$0x0], $0xffff  }
0xdf: {  	v18 =	vld [tilespmem:s25+$0xC80];
	(erf) = vpow2.f32 v20  }
0xe0: {  	v20 =	vld.idx.msk [tilespmem:v22+s31+$0x0], $0xffff;
	v19 =	vmul.f32 v19, v19;
	_ =	sdelay $0x1  }
0xe1: {  	v22 =	vld.idx.msk [tilespmem:v23+s31+$0x0], $0xffff  }
0xe2: {  	v24 =	vmul.f32 v60, v17;
	v21 =	vmul.f32 v21, v21;
	v23 =	vpop (erf)  }
0xe3: {  	v18 =	vmul.f32 v18, v17;
	v23 =	vmul.f32 v23, v19;
	v19 =	vpop (erf)  }
0xe4: {  	v21 =	vmul.f32 v19, v21;
	v19 =	vmul.f32 v20, v20  }
0xe5: {  	v24 =	vmul.f32 v24, v24;
	v61 =	vpop (erf);
	v20 =	vsub.f32 v23, v18  }
0xe6: {  	v26 =	vsub.f32 v21, v18;
	v25 =	vmul.f32 v61, v19;
	v19 =	vmul.f32 v22, v22  }
0xe7: {  	(erf) = vrcp.f32 v24;
	v22 =	vpop (erf);
	v20 =	vmul.f32 v20, v20  }
0xe8: {  	v62 =	vmul.f32 v26, v26;
	v63 =	vsub.f32 v25, v18;
	v22 =	vmul.f32 v22, v19;
	_ =	sdelay $0x1  }
0xe9: {  	v19 =	vadd.f32 v62, v20;
	v20 =	vmul.f32 v63, v63;
	v18 =	vsub.f32 v22, v18;
	_ =	sdelay $0x1  }
0xea: {  	v19 =	vadd.f32 v20, v19;
	v18 =	vmul.f32 v18, v18;
	_ =	sdelay $0x1  }
0xeb: {  	v18 =	vadd.f32 v18, v19  }
0xec: {  	v19 =	vld [tilespmem:s25+$0x1900]  }
0xed: {  	v18 =	vmul.f32 $-5.000000000e-01, v18  }
0xee: {  	v20 =	vpop (erf)  }
0xef: {  	v18 =	vmul.f32 v18, v20;
	_ =	sdelay $0x1  }
0xf0: {  	v18 =	vadd.f32 v18, v19  }
0xf1: {  	v19 =	vld [tilespmem:s25+$0x1F40]  }
0xf2: {  	(xrf2) =	vadd.scan.msk.f32 $0xffff, v18;
	_ =	sdelay $0x1  }
0xf3: {  	v18 =	vadd.f32 $0.0e+00, v23;
	_ =	sdelay $0x1  }
0xf4: {  	v18 =	vadd.f32 v21, v18;
	v20 =	vperm.xlane v19, v13;
	_ =	sdelay $0x1  }
0xf5: {  	v21 =	vperm.xlane v19, v14;
	v18 =	vadd.f32 v25, v18;
	vm2 =	vne.s32 v19, v20  }
0xf6: {  	vm2 =	vmor vm2, vm0  }
0xf7: {  	vm3 =	vne.s32 v19, v21;
	v18 =	vadd.f32 v22, v18  }
0xf8: {  	vm3 =	vmand vm3, vm1  }
0xf9: {  	v18 =	vmul.f32 $2.500000000e-01, v18;
	v20, _, _ =	vpop (xrf2)  }
0xfa: {  	v21 =	vperm.xlane v20, v14  }
0xfb: {  	s24 =	simm.s32 $0x40;
	[tilespmem:s25+$0xBB80] =	vst v18  }
0xfc: {  	[tilespmem:v19+s1+$0x0] =	vst.idx.add.f32.msk vm2, v20;
	v20 =	vor.u32 s24, v10;
	v22 =	vsub.f32 $0.0e+00, v21;
	v21 =	vor.u32 s24, v7  }
0xfd: {  	v21 =	vand.u32 v8, v21  }
0xfe: {  	s30 =	simm.s32 $0x80;
	s23 =	simm.s32 $0x10;
	v18 =	vor.u32 s24, v11;
	s25 =	simm.s32 $0x20;
	[tilespmem:v19+s1+$0x0] =	vst.idx.add.f32.msk vm3, v22  }
.LBB2_8:
0xff: {  	v22 =	vor.u32 s30, v11;
	p0 =	sne.s32 s25, $0x630;
	[tilespmem:v19+s2+$0x0] =	vst.idx.add.f32.msk vm2, v15;
	s5 =	smov.u32 s25;
	s25 =	sadd.s32 $0x10, s25  }
0x100: {  	[tilespmem:v19+s2+$0x0] =	vst.idx.add.f32.msk vm3, v16  }
0x101: {  	v19 =	vld.idx.msk [tilespmem:v20+s28+$0x0], $0xffff;
	v20 =	vor.u32 s24, v12  }
0x102: {  	s3 =	sshra.s32 s24, $0x2;
	s24 =	smov.u32 s30;
	v21 =	vld.idx.msk [tilespmem:v21+s28+$0x0], $0xffff  }
0x103: {  	v23 =	vld [tilespmem:s3+$0x640]  }
0x104: {  	v24 =	vld.idx.msk [tilespmem:v18+s28+$0x0], $0xffff;
	v18 =	vmov v22  }
0x105: {  	v22 =	vld [tilespmem:s3+$0x0]  }
0x106: {  	v20 =	vld.idx.msk [tilespmem:v20+s28+$0x0], $0xffff  }
0x107: {  	v25 =	vmov s23;
	s23 =	smov.u32 s5  }
0x108: {  	v25 =	vshll.u32 v25, $0x4;
	v21 =	vmul.f32 v21, v23;
	v19 =	vmul.f32 v19, v23  }
0x109: {  	v25 =	vor.u32 v9, v25  }
0x10a: {  	v24 =	vmul.f32 v24, v23;
	v21 =	vadd.f32 v21, v22;
	v19 =	vadd.f32 v19, v22  }
0x10b: {  	v26 =	vor.u32 $0x1, v25;
	v27 =	vor.u32 $0x2, v25  }
0x10c: {  	v24 =	vadd.f32 v24, v22;
	v21 =	vmul.f32 $1.442695020e+00, v21;
	v19 =	vmul.f32 $1.442695020e+00, v19  }
0x10d: {  	v20 =	vmul.f32 v20, v23  }
0x10e: {  	v23 =	vmul.f32 $1.442695020e+00, v24;
	(erf) = vpow2.f32 v21  }
0x10f: {  	v20 =	vadd.f32 v20, v22;
	v21 =	vld.idx.msk [tilespmem:v25+s31+$0x0], $0xffff;
	(erf) = vpow2.f32 v19  }
0x110: {  	v22 =	vor.u32 $0x3, v25;
	v19 =	vld.idx.msk [tilespmem:v26+s31+$0x0], $0xffff  }
0x111: {  	v20 =	vmul.f32 $1.442695020e+00, v20;
	v24 =	vld.idx.msk [tilespmem:v27+s31+$0x0], $0xffff;
	(erf) = vpow2.f32 v23  }
0x112: {  	v23 =	vld [tilespmem:s3+$0xC80]  }
0x113: {  	v25 =	vld [tilespmem:s3+$0x12C0];
	(erf) = vpow2.f32 v20;
	_ =	sdelay $0x1  }
0x114: {  	v20 =	vld.idx.msk [tilespmem:v22+s31+$0x0], $0xffff  }
0x115: {  	v21 =	vmul.f32 v21, v21  }
0x116: {  	v19 =	vmul.f32 v19, v19;
	v22 =	vmul.f32 v23, v17;
	v23 =	vpop (erf)  }
0x117: {  	v25 =	vmul.f32 v25, v17;
	v21 =	vmul.f32 v23, v21;
	v23 =	vpop (erf)  }
0x118: {  	v19 =	vmul.f32 v23, v19;
	v23 =	vmul.f32 v24, v24  }
0x119: {  	v28 =	vadd.f32 $0.0e+00, v21;
	v21 =	vsub.f32 v21, v22;
	v25 =	vmul.f32 v25, v25;
	v26 =	vpop (erf)  }
0x11a: {  	v20 =	vmul.f32 v20, v20;
	v27 =	vsub.f32 v19, v22;
	v23 =	vmul.f32 v26, v23  }
0x11b: {  	v21 =	vmul.f32 v21, v21;
	v19 =	vadd.f32 v19, v28;
	v24 =	vpop (erf);
	(erf) = vrcp.f32 v25  }
0x11c: {  	v25 =	vmul.f32 v27, v27;
	v26 =	vsub.f32 v23, v22;
	v20 =	vmul.f32 v24, v20  }
0x11d: {  	v19 =	vadd.f32 v23, v19  }
0x11e: {  	v21 =	vadd.f32 v25, v21;
	v23 =	vmul.f32 v26, v26;
	v22 =	vsub.f32 v20, v22  }
0x11f: {  	v19 =	vadd.f32 v20, v19  }
0x120: {  	v20 =	vadd.f32 v23, v21;
	v21 =	vmul.f32 v22, v22  }
0x121: {  	v19 =	vmul.f32 $2.500000000e-01, v19  }
0x122: {  	v22 =	vadd.f32 v21, v20  }
0x123: {  	v21 =	vld [tilespmem:s3+$0x1900];
	[tilespmem:s3+$0xBB80] =	vst v19  }
0x124: {  	v19 =	vmul.f32 $-5.000000000e-01, v22;
	v20 =	vpop (erf);
	_ =	sdelay $0x1  }
0x125: {  	v20 =	vmul.f32 v19, v20  }
0x126: {  	v19 =	vld [tilespmem:s3+$0x1F40]  }
0x127: {  	v20 =	vadd.f32 v20, v21;
	_ =	sdelay $0x1  }
0x128: {  	(xrf2) =	vadd.scan.msk.f32 $0xffff, v20;
	_ =	sdelay $0x1  }
0x129: {  	v20 =	vperm.xlane v19, v13;
	v21 =	vperm.xlane v19, v14;
	_ =	sdelay $0x1  }
0x12a: {  	vm2 =	vne.s32 v19, v20;
	vm3 =	vne.s32 v19, v21  }
0x12b: {  	vm2 =	vmor vm2, vm0;
	_ =	sdelay $0x3  }
0x12c: {  	vm3 =	vmand vm3, vm1  }
0x12d: {  	v20, _, _ =	vpop (xrf2)  }
.Ltmp7:
0x12e: {  	v21 =	vperm.xlane v20, v14;
	[tilespmem:v19+s1+$0x0] =	vst.idx.add.f32.msk vm2, v20;
	(pc) =	sbr.rel @p0 .LBB2_8-.Ltmp7, $4  }
0x12f: {  	_ = 	snop  }
0x130: {  	v22 =	vor.u32 s30, v7;
	v20 =	vor.u32 s30, v10;
	v23 =	vsub.f32 $0.0e+00, v21  }
0x131: {  	v21 =	vand.u32 v8, v22  }
0x132: {  	s30 =	sadd.s32 $0x40, s30;
	[tilespmem:v19+s1+$0x0] =	vst.idx.add.f32.msk vm3, v23  }
0x133: {  	_ =	sdelay $0x4  }
0x134: {  	[tilespmem:v19+s2+$0x0] =	vst.idx.add.f32.msk vm2, v15  }
0x135: {  	[tilespmem:v19+s2+$0x0] =	vst.idx.add.f32.msk vm3, v16  }
0x136: {  	s3 =	sshra.s32 s24, $0x2;
	v19 =	vld.idx.msk [tilespmem:v21+s28+$0x0], $0xffff  }
0x137: {  	v43 =	vor.u32 s24, v12;
	v22 =	vld [tilespmem:s3+$0x640]  }
0x138: {  	v20 =	vld.idx.msk [tilespmem:v20+s28+$0x0], $0xffff  }
0x139: {  	v23 =	vld [tilespmem:s3+$0x0]  }
0x13a: {  	v18 =	vld.idx.msk [tilespmem:v18+s28+$0x0], $0xffff;
	_ =	sdelay $0x1  }
0x13b: {  	v21 =	vld.idx.msk [tilespmem:v43+s28+$0x0], $0xffff;
	v19 =	vmul.f32 v19, v22  }
0x13c: {  	v24 =	vmov s23;
	v20 =	vmul.f32 v20, v22  }
0x13d: {  	v24 =	vshll.u32 v24, $0x4;
	v19 =	vadd.f32 v19, v23  }
0x13e: {  	v24 =	vor.u32 v9, v24;
	v18 =	vmul.f32 v18, v22;
	v20 =	vadd.f32 v20, v23  }
0x13f: {  	v25 =	vor.u32 $0x1, v24;
	v19 =	vmul.f32 $1.442695020e+00, v19  }
0x140: {  	v18 =	vadd.f32 v18, v23;
	v21 =	vmul.f32 v21, v22;
	v20 =	vmul.f32 $1.442695020e+00, v20  }
0x141: {  	v44 =	vor.u32 $0x2, v24;
	(erf) = vpow2.f32 v19  }
0x142: {  	v18 =	vmul.f32 $1.442695020e+00, v18;
	v19 =	vadd.f32 v21, v23;
	(erf) = vpow2.f32 v20  }
0x143: {  	v48 =	vld [tilespmem:s3+$0x12C0]  }
0x144: {  	v47 =	vor.u32 $0x3, v24;
	v45 =	vld.idx.msk [tilespmem:v24+s31+$0x0], $0xffff;
	v19 =	vmul.f32 $1.442695020e+00, v19;
	(erf) = vpow2.f32 v18  }
0x145: {  	v46 =	vld.idx.msk [tilespmem:v25+s31+$0x0], $0xffff  }
0x146: {  	v18 =	vld [tilespmem:s3+$0xC80];
	(erf) = vpow2.f32 v19  }
0x147: {  	v19 =	vld.idx.msk [tilespmem:v44+s31+$0x0], $0xffff;
	_ =	sdelay $0x1  }
0x148: {  	v49 =	vld.idx.msk [tilespmem:v47+s31+$0x0], $0xffff;
	v20 =	vmul.f32 v45, v45  }
0x149: {  	v24 =	vmul.f32 v48, v17;
	v21 =	vmul.f32 v46, v46;
	v50 =	vpop (erf)  }
0x14a: {  	v18 =	vmul.f32 v18, v17;
	v20 =	vmul.f32 v50, v20;
	v51 =	vpop (erf)  }
0x14b: {  	v19 =	vmul.f32 v19, v19;
	v21 =	vmul.f32 v51, v21  }
0x14c: {  	v24 =	vmul.f32 v24, v24;
	v53 =	vpop (erf);
	v52 =	vsub.f32 v20, v18  }
0x14d: {  	v22 =	vmul.f32 v49, v49;
	v19 =	vmul.f32 v53, v19;
	v26 =	vsub.f32 v21, v18  }
0x14e: {  	(erf) = vrcp.f32 v24;
	v54 =	vpop (erf);
	v23 =	vmul.f32 v52, v52  }
0x14f: {  	v56 =	vsub.f32 v19, v18;
	v22 =	vmul.f32 v54, v22;
	v55 =	vmul.f32 v26, v26;
	_ =	sdelay $0x1  }
0x150: {  	v57 =	vmul.f32 v56, v56;
	v18 =	vsub.f32 v22, v18;
	v23 =	vadd.f32 v55, v23;
	_ =	sdelay $0x1  }
0x151: {  	v18 =	vmul.f32 v18, v18;
	v23 =	vadd.f32 v57, v23;
	_ =	sdelay $0x1  }
0x152: {  	v18 =	vadd.f32 v18, v23  }
0x153: {  	v58 =	vld [tilespmem:s3+$0x1900]  }
0x154: {  	v18 =	vmul.f32 $-5.000000000e-01, v18  }
0x155: {  	v59 =	vpop (erf)  }
0x156: {  	v18 =	vmul.f32 v18, v59;
	_ =	sdelay $0x1  }
0x157: {  	v18 =	vadd.f32 v18, v58;
	_ =	sdelay $0x1  }
0x158: {  	v60 =	vld [tilespmem:s3+$0x1F40];
	(xrf2) =	vadd.scan.msk.f32 $0xffff, v18;
	_ =	sdelay $0x2  }
0x159: {  	v18 =	vadd.f32 $0.0e+00, v20;
	_ =	sdelay $0x1  }
0x15a: {  	v61 =	vperm.xlane v60, v13;
	v18 =	vadd.f32 v21, v18  }
0x15b: {  	v62 =	vperm.xlane v60, v14  }
0x15c: {  	vm2 =	vne.s32 v60, v61;
	v18 =	vadd.f32 v19, v18  }
0x15d: {  	vm3 =	vne.s32 v60, v62;
	vm2 =	vmor vm2, vm0  }
0x15e: {  	vm3 =	vmand vm3, vm1;
	v18 =	vadd.f32 v22, v18  }
0x15f: {  	v19, _, _ =	vpop (xrf2)  }
0x160: {  	v18 =	vmul.f32 $2.500000000e-01, v18;
	v63 =	vperm.xlane v19, v14;
	_ =	sdelay $0x1  }
0x161: {  	[tilespmem:s3+$0xBB80] =	vst v18;
	v18 =	vsub.f32 $0.0e+00, v63  }
0x162: {  	[tilespmem:v60+s1+$0x0] =	vst.idx.add.f32.msk vm2, v19  }
0x163: {  	[tilespmem:v60+s1+$0x0] =	vst.idx.add.f32.msk vm3, v18  }
0x164: {  	s30 =	rddreg [dreg:$0x4];
	[tilespmem:v60+s2+$0x0] =	vst.idx.add.f32.msk vm2, v15  }
.Ltmp8:
0x165: {  	s3 =	sadd.s32 s30, s22;
	[tilespmem:v60+s2+$0x0] =	vst.idx.add.f32.msk vm3, v16;
	(pc) =	sbr.rel .LBB2_10-.Ltmp8, $4  }
0x166: {  	[hbm4b:s3+s18] =	stream.linear.scatter [tilespmem:s4], [sflag:$0x2], $0x640, $0x38;
	[tilespmem:$0x10FF0] =	vst v63  }
0x167: {  	_ =	swait.ge [sflag:s19], $0x640  }
0x168: {  	[sflag:s19] =	ssyncset.done $0x0  }
0x169: {  	[sflag:s19] =	ssyncadd.s32 $0xFFFFF9C0  }
.LBB2_12:
0x16a: {  	_ =	sfence.sel $0x180000  }
0x16b: {  	[bflag:$0x0] =	sbarrier.arrive $0xFFFF  }
0x16c: {  	_ =	strace $0x90000047  }
0x16d: {  	s0 =	stileid.u32;
	[bflag:$0x2] =	sbarrier.arrive $0xFFFF  }
0x16e: {  	p0 =	sne.s32 s0, $0x0;
	s0 =	rddreg [dreg:$0x5]  }
0x16f: {  	s0 =	sadd.s32 @!p0 $0x100000, s0  }
0x170: {  	[sflag:s0] =	ssyncadd.tile.s32 @!p0 $0x1;
	_ =	shalt  }
.Lfunc_end2:
_tile_overlayer_lowered:
.L_overlay_start_2:
0x171: {  	(tag) =	ssettag $0x2  }
0x172: {  	s0 =	rddreg [dreg:$0x0];
	s2 =	stileid.u32  }
0x173: {  	s1 =	rddreg [dreg:$0x1];
	p0 =	sne.s32 s2, $0x0  }
0x174: {  	s3 =	rddreg [dreg:$0x2];
	[bflag:$0x3] =	sbarrier.arrive $0xFFFF;
	s2 =	simm.s32 @!p0 $0x1C02  }
0x175: {  	[timem:s3], [sflag:s2] =	dma.local @!p0 [hbm:s0], s1  }
0x176: {  	s0 =	simm.s32 @!p0 $0x2  }
0x177: {  	_ =	swait.ge @!p0 [sflag:s0], s1  }
0x178: {  	s1 =	ssub.s32 @!p0 $0x0, s1;
	[sflag:s0] =	ssyncset.done @!p0 $0x0  }
0x179: {  	[sflag:s0] =	ssyncadd.s32 @!p0 s1  }
0x17a: {  	[bflag:$0x3] =	sbarrier.arrive $0xFFFF  }
0x17b: {  	_ =	shalt  }

</sc_bundles>
